<compile_context>
chip_gen: v7x
topology: tpu7x:2x2x1
jax: 0.10.2.dev20260603
libtpu: 0.0.44.dev20260713+nightly
codegen_flags: <defaults>
</compile_context>

<pallas_src>
import functools

import jax
import jax.numpy as jnp
from jax import lax
from jax.experimental import pallas as pl
from jax.experimental.pallas import tpu as pltpu
from jax.experimental.pallas import tpu_sc as plsc

_B = 4096
_L = 50
_K = 5
_D = 64
_V = 100000
_S = _B * _L * _K

_VODD = 3125
_VSH = 5



def _threefry2x32(x0, x1):
    _ks = (0, 42, 42 ^ 0x1BD11BDA)
    rots = ((13, 15, 26, 6), (17, 29, 16, 24))
    x1 = x1 + jnp.uint32(42)
    for i in range(5):
        for r in rots[i % 2]:
            x0 = x0 + x1
            x1 = (x1 << r) | (x1 >> (32 - r))
            x1 = x1 ^ x0
        c0 = _ks[(i + 1) % 3]
        c1 = (_ks[(i + 2) % 3] + i + 1) & 0xFFFFFFFF
        if c0:
            x0 = x0 + jnp.uint32(c0)
        x1 = x1 + jnp.uint32(c1)
    return x0, x1


_SB = 32
_VB = 256
_NU = 8


def _make_sample_kernel(n_samples, vocab, sb, vb, nu, vodd, vsh):
    nv = -(-(-(-vocab // vb)) // nu) * nu
    nb = n_samples // sb

    def body(logits_ref, out_ref):
        step = pl.program_id(0)
        s0 = (step * sb).astype(jnp.uint32)
        srel = lax.broadcasted_iota(jnp.int32, (sb, vb), 0).astype(jnp.uint32)
        s_abs = srel + s0
        p = s_abs * jnp.uint32(vodd)
        hi0 = p >> (32 - vsh)
        lo0 = p << vsh
        vlane = lax.broadcasted_iota(jnp.int32, (sb, vb), 1)

        def one_tile(t):
            v_i32 = vlane + t * vb
            v = v_i32.astype(jnp.uint32)
            lo = lo0 + v
            hi = hi0 + (lo < lo0).astype(jnp.uint32)
            b1, b2 = _threefry2x32(hi, lo)
            bits = b1 ^ b2
            fl = lax.bitcast_convert_type(
                (bits >> 9) | jnp.uint32(0x3F800000), jnp.float32) - 1.0
            val = jnp.log2(fl) * logits_ref[t, :][None, :]
            return val, v_i32

        def vloop(t, carry):
            m, idx = carry
            pairs = [one_tile(t * nu + j) for j in range(nu)]
            while len(pairs) > 1:
                merged = []
                for a in range(0, len(pairs) - 1, 2):
                    v0, i0_ = pairs[a]
                    v1, i1_ = pairs[a + 1]
                    take1 = v1 < v0
                    merged.append((jnp.where(take1, v1, v0),
                                   jnp.where(take1, i1_, i0_)))
                if len(pairs) % 2:
                    merged.append(pairs[-1])
                pairs = merged
            val, v_i32 = pairs[0]
            upd = val < m
            m = jnp.where(upd, val, m)
            idx = jnp.where(upd, v_i32, idx)
            return m, idx

        m0 = jnp.full((sb, vb), jnp.inf, jnp.float32)
        i0 = jnp.zeros((sb, vb), jnp.int32)
        m, idx = lax.fori_loop(0, nv // nu, vloop, (m0, i0))
        rowmin = jnp.min(m, axis=1, keepdims=True)
        masked = jnp.where(m == rowmin, idx, jnp.int32(0x7FFFFFFF))
        out_ref[0, 0, :] = jnp.min(masked, axis=1)

    return pl.pallas_call(
        body,
        grid=(nb,),
        in_specs=[pl.BlockSpec((nv, vb), lambda i: (0, 0))],
        out_specs=pl.BlockSpec((1, 1, sb), lambda i: (i, 0, 0)),
        out_shape=jax.ShapeDtypeStruct((nb, 1, sb), jnp.int32),
        compiler_params=pltpu.CompilerParams(
            dimension_semantics=("parallel",)),
    )


def _sample_negatives(logits_padded, n_samples=_S, vocab=_V, sb=_SB, vb=_VB,
                      nu=_NU, vodd=_VODD, vsh=_VSH):
    call = _make_sample_kernel(n_samples, vocab, sb, vb, nu, vodd, vsh)
    out = call(logits_padded)
    return out.reshape(n_samples)


def _pad_weights(distribution, vocab, vb=_VB, nu=_NU):
    nv = -(-(-(-vocab // vb)) // nu) * nu
    pad = nv * vb - vocab
    c2 = -1.0 / distribution
    return jnp.pad(c2, (0, pad), constant_values=-jnp.inf).reshape(nv, vb)




def _make_gather_kernel(n_rows, n_ent, d):
    info = plsc.get_sparse_core_info()
    nw = info.num_cores * info.num_subcores
    ch = 128
    rw = n_rows // nw
    nch = rw // ch
    ew = n_ent // nw
    assert rw % ch == 0 and ew == ch
    mesh = plsc.VectorSubcoreMesh(core_axis_name="c", subcore_axis_name="s")

    @functools.partial(
        pl.kernel,
        mesh=mesh,
        out_type=(
            jax.ShapeDtypeStruct((n_rows, d), jnp.float32),
            jax.ShapeDtypeStruct((n_ent, d), jnp.float32),
        ),
        scratch_types=[
            pltpu.VMEM((ch,), jnp.int32),
            pltpu.VMEM((ch, d), jnp.float32),
            pltpu.SemaphoreType.DMA,
        ],
    )
    def gather_k(vtab_hbm, etab_hbm, idx_hbm, ids_hbm, outv_hbm, oute_hbm,
                 idx_v, rows_v, sem):
        wid = lax.axis_index("s") * info.num_cores + lax.axis_index("c")

        def chunk(t, carry):
            base = wid * rw + t * ch
            pltpu.sync_copy(idx_hbm.at[pl.ds(base, ch)], idx_v)
            pltpu.async_copy(vtab_hbm.at[idx_v], rows_v, sem).wait()
            pltpu.sync_copy(rows_v, outv_hbm.at[pl.ds(base, ch)])
            return carry

        lax.fori_loop(0, nch, chunk, 0)
        ebase = wid * ew
        pltpu.sync_copy(ids_hbm.at[pl.ds(ebase, ew)], idx_v)
        pltpu.async_copy(etab_hbm.at[idx_v], rows_v, sem).wait()
        pltpu.sync_copy(rows_v, oute_hbm.at[pl.ds(ebase, ew)])

    return gather_k


def _gather_rows(emb_v_table, emb_e_table, idx_all, ids_entity):
    k = _make_gather_kernel(idx_all.shape[0], ids_entity.shape[0],
                            emb_v_table.shape[1])
    return k(emb_v_table, emb_e_table, idx_all, ids_entity)




def _make_loss_kernel(b, npair, d, l, bb):
    nb = b // bb

    def body(rows_ref, e_ref, tp_ref, out_ref, acc_ref):
        step = pl.program_id(0)
        rows = rows_ref[...]
        e = e_ref[...]
        dot = jnp.sum(rows * e[:, None, :], axis=-1)
        terms = -jnp.log(jax.nn.sigmoid(dot) + 0.5)
        psum = jnp.sum(terms)
        plen = jnp.sum((tp_ref[...] != 0).astype(jnp.float32))

        @pl.when(step == 0)
        def _init():
            acc_ref[0] = psum
            acc_ref[1] = plen

        @pl.when(step != 0)
        def _acc():
            acc_ref[0] = acc_ref[0] + psum
            acc_ref[1] = acc_ref[1] + plen

        @pl.when(step == nb - 1)
        def _fin():
            out_ref[0] = acc_ref[0] / (jnp.float32(_K + 1) * acc_ref[1])

    return pl.pallas_call(
        body,
        grid=(nb,),
        in_specs=[
            pl.BlockSpec((bb, npair, d), lambda i: (i, 0, 0)),
            pl.BlockSpec((bb, d), lambda i: (i, 0)),
            pl.BlockSpec((bb, l), lambda i: (i, 0)),
        ],
        out_specs=pl.BlockSpec(memory_space=pltpu.MemorySpace.SMEM),
        out_shape=jax.ShapeDtypeStruct((1,), jnp.float32),
        scratch_shapes=[pltpu.SMEM((2,), jnp.float32)],
        compiler_params=pltpu.CompilerParams(
            dimension_semantics=("arbitrary",)),
    )


def _loss(rows, e_rows, token_pos, bb=32):
    b, npair, d = rows.shape
    call = _make_loss_kernel(b, npair, d, token_pos.shape[1], bb)
    return call(rows, e_rows, token_pos)[0]




def kernel(ids_entity, token_pos, emb_e_table, emb_v_table, distribution):
    weights_padded = _pad_weights(distribution, _V)
    token_neg = _sample_negatives(weights_padded).reshape(_B, _L * _K)
    idx_all = jnp.concatenate(
        [token_pos.astype(jnp.int32), token_neg], axis=1).reshape(-1)
    vtab = jnp.pad(emb_v_table, ((0, 0), (0, 128 - _D)))
    etab = jnp.pad(emb_e_table, ((0, 0), (0, 128 - _D)))
    rows, e_rows = _gather_rows(
        vtab, etab, idx_all, ids_entity.astype(jnp.int32))
    rows = rows.reshape(_B, _L * (_K + 1), 128)
    return _loss(rows, e_rows, token_pos)

# --- scband reference (transcript-rebuilt; emitter-appended) ---
"""Pipeline reference for scband-paragraph-vec-layer-32091995636384 (READ-ONLY COPY).

The authoritative reference and input builder live on the scoring server;
editing this copy changes nothing except your own understanding.
"""

import jax, jax.numpy as jnp
import numpy as np

VOCAB = 100000
N_ENT = 100000
D = 64
B = 4096
L = 50
K = 5


def setup_inputs(seed: int = 0) -> dict:
    key = jax.random.key(seed)
    k1, k2, k3, k4, k5 = jax.random.split(key, 5)
    ids_entity = jax.random.randint(k1, (B,), 0, N_ENT)
    token_pos = jax.random.randint(k2, (B, L), 0, VOCAB)
    emb_e_table = jax.random.normal(k3, (N_ENT, D), dtype=jnp.float32) * 0.02
    emb_v_table = jax.random.normal(k4, (VOCAB, D), dtype=jnp.float32) * 0.02
    distribution = jax.random.uniform(k5, (VOCAB,), minval=0.1, maxval=1.0)
    distribution = distribution / distribution.sum()
    return {
        "ids_entity": ids_entity,
        "token_pos": token_pos,
        "emb_e_table": emb_e_table,
        "emb_v_table": emb_v_table,
        "distribution": distribution,
    }


def reference(ids_entity, token_pos, emb_e_table, emb_v_table, distribution):
    bsz, max_len = token_pos.shape
    lens = (token_pos != 0).sum(axis=1)
    n_token = ((K + 1) * lens.sum()).astype(jnp.float32)
    # neg_sampling: multinomial draws (with replacement) from the unigram distribution
    logits = jnp.log(distribution)
    token_neg = jax.random.categorical(jax.random.key(42), logits, shape=(bsz, max_len * K))
    emb_v_pos = emb_v_table[token_pos]            # gather [B, L, D]
    emb_v_neg = emb_v_table[token_neg]            # gather [B, L*K, D]
    emb_v = jnp.concatenate((emb_v_pos, emb_v_neg), axis=1)  # [B, L*(K+1), D]
    emb_e = emb_e_table[ids_entity]               # gather [B, D]
    emb_expand = jnp.broadcast_to(emb_e[:, None, :], (bsz, max_len * (K + 1), D))
    dot = (emb_expand * emb_v).sum(-1)
    loss = -jnp.log(jax.nn.sigmoid(dot) + 0.5).sum() / n_token
    return loss

if __name__ == "__main__":
    import jax
    _d = setup_inputs()
    print(jax.jit(kernel)(*tuple(_d.values())))

</pallas_src>

<mosaic_0001>
#map = affine_map<(d0, d1) -> (0, 0)>
#map1 = affine_map<(d0, d1) -> (0)>
module attributes {stable_mosaic.version = 14 : i64} {
  func.func @gather_k(%arg0: i32, %arg1: i32, %arg2: memref<100000x128xf32, #tpu.memory_space<hbm>>, %arg3: memref<100000x128xf32, #tpu.memory_space<hbm>>, %arg4: memref<1228800xi32, #tpu.memory_space<hbm>>, %arg5: memref<4096xi32, #tpu.memory_space<hbm>>, %arg6: memref<1228800x128xf32, #tpu.memory_space<hbm>>, %arg7: memref<4096x128xf32, #tpu.memory_space<hbm>>, %arg8: memref<128xi32, #tpu.memory_space<vmem>>, %arg9: memref<128x128xf32, #tpu.memory_space<vmem>>, %arg10: memref<!tpu.dma_semaphore, #tpu.memory_space<semaphore_mem>>) attributes {dimension_semantics = [#tpu.dimension_semantics<core_parallel>, #tpu.dimension_semantics<subcore_parallel>], iteration_bounds = array<i64: 2, 16>, scalar_prefetch = 0 : i64, scratch_operands = 3 : i64, tpu.core_type = #tpu.core_type<sc_vector_subcore>, window_params = [{transform_indices = #map}, {transform_indices = #map}, {transform_indices = #map1}, {transform_indices = #map1}, {transform_indices = #map}, {transform_indices = #map}]} {
    %mul3A = arith.constant 2 : i32
    %mul3A_0 = arith.muli %arg1, %mul3A : i32
    %add3A = arith.addi %mul3A_0, %arg0 : i32
    %scan3A = arith.constant 0 : i32
    %scan3A_1 = arith.constant 0 : i32
    %scan3A_2 = arith.constant 300 : i32
    %scan3A_3 = arith.addi %scan3A_1, %scan3A_2 : i32
    %scan3A_4 = arith.constant 1 : i32
    scf.for %scan3A_12 = %scan3A_1 to %scan3A_3 step %scan3A_4  : i32 {
      %mul3A_13 = arith.constant 38400 : i32
      %mul3A_14 = arith.muli %add3A, %mul3A_13 : i32
      %mul3A_15 = arith.constant 128 : i32
      %mul3A_16 = arith.muli %scan3A_12, %mul3A_15 : i32
      %add3A_17 = arith.addi %mul3A_14, %mul3A_16 : i32
      "tpu.region"() ({
        %run_scoped3A = tpu.sem_alloc : memref<!tpu.dma_semaphore, #tpu.memory_space<semaphore_mem>>
        %dma_start3A_24 = tpu.memref_slice %arg4[%add3A_17] : memref<1228800xi32, #tpu.memory_space<hbm>> -> memref<128xi32, #tpu.memory_space<hbm>>
        %dma_start3A_25 = tpu.memref_slice %arg4[%add3A_17] : memref<1228800xi32, #tpu.memory_space<hbm>> -> memref<128xi32, #tpu.memory_space<hbm>>
        tpu.enqueue_dma source(%dma_start3A_25 : memref<128xi32, #tpu.memory_space<hbm>>) target(%arg8 : memref<128xi32, #tpu.memory_space<vmem>>) target_semaphore(%run_scoped3A : memref<!tpu.dma_semaphore, #tpu.memory_space<semaphore_mem>>)
        %dma_wait3A_26 = tpu.memref_slice %arg4[%add3A_17] : memref<1228800xi32, #tpu.memory_space<hbm>> -> memref<128xi32, #tpu.memory_space<hbm>>
        %dma_wait3A_27 = tpu.memref_slice %arg4[%add3A_17] : memref<1228800xi32, #tpu.memory_space<hbm>> -> memref<128xi32, #tpu.memory_space<hbm>>
        tpu.wait_dma2 semaphore(%run_scoped3A : memref<!tpu.dma_semaphore, #tpu.memory_space<semaphore_mem>>) src(%dma_wait3A_27 : memref<128xi32, #tpu.memory_space<hbm>>) dst(%arg8 : memref<128xi32, #tpu.memory_space<vmem>>)
        tpu.yield
      }) : () -> ()
      %dma_start3A_18 = arith.constant 0 : i32
      %dma_start3A_19 = arith.constant 0 : i32
      %dma_start3A_20 = tpu.memref_slice %arg2[%dma_start3A_18, %dma_start3A_19] : memref<100000x128xf32, #tpu.memory_space<hbm>> -> memref<100000x128xf32, #tpu.memory_space<hbm>>
      tpu.enqueue_indirect_dma source(%dma_start3A_20 : memref<100000x128xf32, #tpu.memory_space<hbm>>) target(%arg9 : memref<128x128xf32, #tpu.memory_space<vmem>>) offsets(%arg8 : memref<128xi32, #tpu.memory_space<vmem>>) semaphore(%arg10 : memref<!tpu.dma_semaphore, #tpu.memory_space<semaphore_mem>>)
      %dma_wait3A_21 = arith.constant 0 : i32
      %dma_wait3A_22 = arith.constant 0 : i32
      %dma_wait3A_23 = tpu.memref_slice %arg2[%dma_wait3A_21, %dma_wait3A_22] : memref<100000x128xf32, #tpu.memory_space<hbm>> -> memref<100000x128xf32, #tpu.memory_space<hbm>>
      tpu.wait_indirect_dma semaphore(%arg10 : memref<!tpu.dma_semaphore, #tpu.memory_space<semaphore_mem>>) src(%dma_wait3A_23 : memref<100000x128xf32, #tpu.memory_space<hbm>>) dst(%arg9 : memref<128x128xf32, #tpu.memory_space<vmem>>)
      "tpu.region"() ({
        %run_scoped3A = tpu.sem_alloc : memref<!tpu.dma_semaphore, #tpu.memory_space<semaphore_mem>>
        %dma_start3A_24 = arith.constant 0 : i32
        %dma_start3A_25 = tpu.memref_slice %arg6[%add3A_17, %dma_start3A_24] : memref<1228800x128xf32, #tpu.memory_space<hbm>> -> memref<128x128xf32, #tpu.memory_space<hbm>>
        %dma_start3A_26 = arith.constant 0 : i32
        %dma_start3A_27 = tpu.memref_slice %arg6[%add3A_17, %dma_start3A_26] : memref<1228800x128xf32, #tpu.memory_space<hbm>> -> memref<128x128xf32, #tpu.memory_space<hbm>>
        tpu.enqueue_dma source(%arg9 : memref<128x128xf32, #tpu.memory_space<vmem>>) target(%dma_start3A_27 : memref<128x128xf32, #tpu.memory_space<hbm>>) target_semaphore(%run_scoped3A : memref<!tpu.dma_semaphore, #tpu.memory_space<semaphore_mem>>)
        %dma_wait3A_28 = arith.constant 0 : i32
        %dma_wait3A_29 = tpu.memref_slice %arg6[%add3A_17, %dma_wait3A_28] : memref<1228800x128xf32, #tpu.memory_space<hbm>> -> memref<128x128xf32, #tpu.memory_space<hbm>>
        %dma_wait3A_30 = arith.constant 0 : i32
        %dma_wait3A_31 = tpu.memref_slice %arg6[%add3A_17, %dma_wait3A_30] : memref<1228800x128xf32, #tpu.memory_space<hbm>> -> memref<128x128xf32, #tpu.memory_space<hbm>>
        tpu.wait_dma2 semaphore(%run_scoped3A : memref<!tpu.dma_semaphore, #tpu.memory_space<semaphore_mem>>) src(%arg9 : memref<128x128xf32, #tpu.memory_space<vmem>>) dst(%dma_wait3A_31 : memref<128x128xf32, #tpu.memory_space<hbm>>)
        tpu.yield
      }) : () -> ()
    }
    %scan3A_5 = arith.constant 300 : i32
    %mul3A_6 = arith.constant 128 : i32
    %mul3A_7 = arith.muli %add3A, %mul3A_6 : i32
    "tpu.region"() ({
      %run_scoped3A = tpu.sem_alloc : memref<!tpu.dma_semaphore, #tpu.memory_space<semaphore_mem>>
      %dma_start3A_12 = tpu.memref_slice %arg5[%mul3A_7] : memref<4096xi32, #tpu.memory_space<hbm>> -> memref<128xi32, #tpu.memory_space<hbm>>
      %dma_start3A_13 = tpu.memref_slice %arg5[%mul3A_7] : memref<4096xi32, #tpu.memory_space<hbm>> -> memref<128xi32, #tpu.memory_space<hbm>>
      tpu.enqueue_dma source(%dma_start3A_13 : memref<128xi32, #tpu.memory_space<hbm>>) target(%arg8 : memref<128xi32, #tpu.memory_space<vmem>>) target_semaphore(%run_scoped3A : memref<!tpu.dma_semaphore, #tpu.memory_space<semaphore_mem>>)
      %dma_wait3A_14 = tpu.memref_slice %arg5[%mul3A_7] : memref<4096xi32, #tpu.memory_space<hbm>> -> memref<128xi32, #tpu.memory_space<hbm>>
      %dma_wait3A_15 = tpu.memref_slice %arg5[%mul3A_7] : memref<4096xi32, #tpu.memory_space<hbm>> -> memref<128xi32, #tpu.memory_space<hbm>>
      tpu.wait_dma2 semaphore(%run_scoped3A : memref<!tpu.dma_semaphore, #tpu.memory_space<semaphore_mem>>) src(%dma_wait3A_15 : memref<128xi32, #tpu.memory_space<hbm>>) dst(%arg8 : memref<128xi32, #tpu.memory_space<vmem>>)
      tpu.yield
    }) : () -> ()
    %dma_start3A = arith.constant 0 : i32
    %dma_start3A_8 = arith.constant 0 : i32
    %dma_start3A_9 = tpu.memref_slice %arg3[%dma_start3A, %dma_start3A_8] : memref<100000x128xf32, #tpu.memory_space<hbm>> -> memref<100000x128xf32, #tpu.memory_space<hbm>>
    tpu.enqueue_indirect_dma source(%dma_start3A_9 : memref<100000x128xf32, #tpu.memory_space<hbm>>) target(%arg9 : memref<128x128xf32, #tpu.memory_space<vmem>>) offsets(%arg8 : memref<128xi32, #tpu.memory_space<vmem>>) semaphore(%arg10 : memref<!tpu.dma_semaphore, #tpu.memory_space<semaphore_mem>>)
    %dma_wait3A = arith.constant 0 : i32
    %dma_wait3A_10 = arith.constant 0 : i32
    %dma_wait3A_11 = tpu.memref_slice %arg3[%dma_wait3A, %dma_wait3A_10] : memref<100000x128xf32, #tpu.memory_space<hbm>> -> memref<100000x128xf32, #tpu.memory_space<hbm>>
    tpu.wait_indirect_dma semaphore(%arg10 : memref<!tpu.dma_semaphore, #tpu.memory_space<semaphore_mem>>) src(%dma_wait3A_11 : memref<100000x128xf32, #tpu.memory_space<hbm>>) dst(%arg9 : memref<128x128xf32, #tpu.memory_space<vmem>>)
    "tpu.region"() ({
      %run_scoped3A = tpu.sem_alloc : memref<!tpu.dma_semaphore, #tpu.memory_space<semaphore_mem>>
      %dma_start3A_12 = arith.constant 0 : i32
      %dma_start3A_13 = tpu.memref_slice %arg7[%mul3A_7, %dma_start3A_12] : memref<4096x128xf32, #tpu.memory_space<hbm>> -> memref<128x128xf32, #tpu.memory_space<hbm>>
      %dma_start3A_14 = arith.constant 0 : i32
      %dma_start3A_15 = tpu.memref_slice %arg7[%mul3A_7, %dma_start3A_14] : memref<4096x128xf32, #tpu.memory_space<hbm>> -> memref<128x128xf32, #tpu.memory_space<hbm>>
      tpu.enqueue_dma source(%arg9 : memref<128x128xf32, #tpu.memory_space<vmem>>) target(%dma_start3A_15 : memref<128x128xf32, #tpu.memory_space<hbm>>) target_semaphore(%run_scoped3A : memref<!tpu.dma_semaphore, #tpu.memory_space<semaphore_mem>>)
      %dma_wait3A_16 = arith.constant 0 : i32
      %dma_wait3A_17 = tpu.memref_slice %arg7[%mul3A_7, %dma_wait3A_16] : memref<4096x128xf32, #tpu.memory_space<hbm>> -> memref<128x128xf32, #tpu.memory_space<hbm>>
      %dma_wait3A_18 = arith.constant 0 : i32
      %dma_wait3A_19 = tpu.memref_slice %arg7[%mul3A_7, %dma_wait3A_18] : memref<4096x128xf32, #tpu.memory_space<hbm>> -> memref<128x128xf32, #tpu.memory_space<hbm>>
      tpu.wait_dma2 semaphore(%run_scoped3A : memref<!tpu.dma_semaphore, #tpu.memory_space<semaphore_mem>>) src(%arg9 : memref<128x128xf32, #tpu.memory_space<vmem>>) dst(%dma_wait3A_19 : memref<128x128xf32, #tpu.memory_space<hbm>>)
      tpu.yield
    }) : () -> ()
    return
  }
}

module attributes {stable_mosaic.version = 14 : i64} {
  func.func @body(%arg0: i32, %arg1: memref<392x256xf32, #tpu.memory_space<vmem>>, %arg2: memref<1x1x32xi32, #tpu.memory_space<vmem>>) attributes {dimension_semantics = [#tpu.dimension_semantics<parallel>], iteration_bounds = array<i64: 32000>, scalar_prefetch = 0 : i64, scratch_operands = 0 : i64, tpu.core_type = #tpu.core_type<tc>, window_params = [{pipeline_mode = #tpu.pipeline_mode<synchronous>, transform_indices = @transform_0, window_bounds = array<i64: 392, 256>}, {transform_indices = @transform_1, window_bounds = array<i64: 1, 1, 32>}]} {
    %mul3A = arith.constant 32 : i32
    %mul3A_0 = arith.muli %arg0, %mul3A : i32
    %iota3A = tpu.iota {dimensions = array<i32: 0>} : vector<32x256xi32>
    %add3A = vector.broadcast %mul3A_0 : i32 to vector<32x256xi32>
    %add3A_1 = arith.addi %iota3A, %add3A : vector<32x256xi32>
    %mul3A_2 = arith.constant 3125 : i32
    %mul3A_3 = vector.broadcast %mul3A_2 : i32 to vector<32x256xi32>
    %mul3A_4 = arith.muli %add3A_1, %mul3A_3 : vector<32x256xi32>
    %shift_right_logical3A = arith.constant 27 : i32
    %shift_right_logical3A_5 = vector.broadcast %shift_right_logical3A : i32 to vector<32x256xi32>
    %shift_right_logical3A_6 = arith.shrui %mul3A_4, %shift_right_logical3A_5 : vector<32x256xi32>
    %shift_left3A = arith.constant 5 : i32
    %shift_left3A_7 = vector.broadcast %shift_left3A : i32 to vector<32x256xi32>
    %shift_left3A_8 = arith.shli %mul3A_4, %shift_left3A_7 : vector<32x256xi32>
    %iota3A_9 = tpu.iota {dimensions = array<i32: 1>} : vector<32x256xi32>
    %broadcast_in_dim3A = arith.constant 0x7F800000 : f32
    %broadcast_in_dim3A_10 = vector.broadcast %broadcast_in_dim3A : f32 to vector<32x256xf32>
    %broadcast_in_dim3A_11 = arith.constant 0 : i32
    %broadcast_in_dim3A_12 = vector.broadcast %broadcast_in_dim3A_11 : i32 to vector<32x256xi32>
    %scan3A = arith.constant 0 : i32
    %scan3A_13 = arith.constant 49 : i32
    %scan3A_14 = arith.addi %scan3A, %scan3A_13 : i32
    %scan3A_15 = arith.constant 1 : i32
    %scan3A_16:2 = scf.for %scan3A_29 = %scan3A to %scan3A_14 step %scan3A_15 iter_args(%scan3A_30 = %broadcast_in_dim3A_10, %scan3A_31 = %broadcast_in_dim3A_12) -> (vector<32x256xf32>, vector<32x256xi32>)  : i32 {
      %mul3A_32 = arith.constant 8 : i32
      %mul3A_33 = arith.muli %scan3A_29, %mul3A_32 : i32
      %add3A_34 = arith.constant 0 : i32
      %add3A_35 = arith.addi %mul3A_33, %add3A_34 : i32
      %mul3A_36 = arith.constant 256 : i32
      %mul3A_37 = arith.muli %add3A_35, %mul3A_36 : i32
      %add3A_38 = vector.broadcast %mul3A_37 : i32 to vector<32x256xi32>
      %add3A_39 = arith.addi %iota3A_9, %add3A_38 : vector<32x256xi32>
      %add3A_40 = arith.addi %shift_left3A_8, %add3A_39 : vector<32x256xi32>
      %lt3A = arith.cmpi ult, %add3A_40, %shift_left3A_8 : vector<32x256xi32>
      %convert_element_type3A = arith.extui %lt3A : vector<32x256xi1> to vector<32x256xi32>
      %add3A_41 = arith.addi %shift_right_logical3A_6, %convert_element_type3A : vector<32x256xi32>
      %add3A_42 = arith.constant 42 : i32
      %add3A_43 = vector.broadcast %add3A_42 : i32 to vector<32x256xi32>
      %add3A_44 = arith.addi %add3A_40, %add3A_43 : vector<32x256xi32>
      %add3A_45 = arith.addi %add3A_41, %add3A_44 : vector<32x256xi32>
      %shift_left3A_46 = arith.constant 13 : i32
      %shift_left3A_47 = vector.broadcast %shift_left3A_46 : i32 to vector<32x256xi32>
      %shift_left3A_48 = arith.shli %add3A_44, %shift_left3A_47 : vector<32x256xi32>
      %shift_right_logical3A_49 = arith.constant 19 : i32
      %shift_right_logical3A_50 = vector.broadcast %shift_right_logical3A_49 : i32 to vector<32x256xi32>
      %shift_right_logical3A_51 = arith.shrui %add3A_44, %shift_right_logical3A_50 : vector<32x256xi32>
      %or3A = arith.ori %shift_left3A_48, %shift_right_logical3A_51 : vector<32x256xi32>
      %xor3A = arith.xori %or3A, %add3A_45 : vector<32x256xi32>
      %add3A_52 = arith.addi %add3A_45, %xor3A : vector<32x256xi32>
      %shift_left3A_53 = arith.constant 15 : i32
      %shift_left3A_54 = vector.broadcast %shift_left3A_53 : i32 to vector<32x256xi32>
      %shift_left3A_55 = arith.shli %xor3A, %shift_left3A_54 : vector<32x256xi32>
      %shift_right_logical3A_56 = arith.constant 17 : i32
      %shift_right_logical3A_57 = vector.broadcast %shift_right_logical3A_56 : i32 to vector<32x256xi32>
      %shift_right_logical3A_58 = arith.shrui %xor3A, %shift_right_logical3A_57 : vector<32x256xi32>
      %or3A_59 = arith.ori %shift_left3A_55, %shift_right_logical3A_58 : vector<32x256xi32>
      %xor3A_60 = arith.xori %or3A_59, %add3A_52 : vector<32x256xi32>
      %add3A_61 = arith.addi %add3A_52, %xor3A_60 : vector<32x256xi32>
      %shift_left3A_62 = arith.constant 26 : i32
      %shift_left3A_63 = vector.broadcast %shift_left3A_62 : i32 to vector<32x256xi32>
      %shift_left3A_64 = arith.shli %xor3A_60, %shift_left3A_63 : vector<32x256xi32>
      %shift_right_logical3A_65 = arith.constant 6 : i32
      %shift_right_logical3A_66 = vector.broadcast %shift_right_logical3A_65 : i32 to vector<32x256xi32>
      %shift_right_logical3A_67 = arith.shrui %xor3A_60, %shift_right_logical3A_66 : vector<32x256xi32>
      %or3A_68 = arith.ori %shift_left3A_64, %shift_right_logical3A_67 : vector<32x256xi32>
      %xor3A_69 = arith.xori %or3A_68, %add3A_61 : vector<32x256xi32>
      %add3A_70 = arith.addi %add3A_61, %xor3A_69 : vector<32x256xi32>
      %shift_left3A_71 = arith.constant 6 : i32
      %shift_left3A_72 = vector.broadcast %shift_left3A_71 : i32 to vector<32x256xi32>
      %shift_left3A_73 = arith.shli %xor3A_69, %shift_left3A_72 : vector<32x256xi32>
      %shift_right_logical3A_74 = arith.constant 26 : i32
      %shift_right_logical3A_75 = vector.broadcast %shift_right_logical3A_74 : i32 to vector<32x256xi32>
      %shift_right_logical3A_76 = arith.shrui %xor3A_69, %shift_right_logical3A_75 : vector<32x256xi32>
      %or3A_77 = arith.ori %shift_left3A_73, %shift_right_logical3A_76 : vector<32x256xi32>
      %xor3A_78 = arith.xori %or3A_77, %add3A_70 : vector<32x256xi32>
      %add3A_79 = arith.constant 42 : i32
      %add3A_80 = vector.broadcast %add3A_79 : i32 to vector<32x256xi32>
      %add3A_81 = arith.addi %add3A_70, %add3A_80 : vector<32x256xi32>
      %add3A_82 = arith.constant 466689009 : i32
      %add3A_83 = vector.broadcast %add3A_82 : i32 to vector<32x256xi32>
      %add3A_84 = arith.addi %xor3A_78, %add3A_83 : vector<32x256xi32>
      %add3A_85 = arith.addi %add3A_81, %add3A_84 : vector<32x256xi32>
      %shift_left3A_86 = arith.constant 17 : i32
      %shift_left3A_87 = vector.broadcast %shift_left3A_86 : i32 to vector<32x256xi32>
      %shift_left3A_88 = arith.shli %add3A_84, %shift_left3A_87 : vector<32x256xi32>
      %shift_right_logical3A_89 = arith.constant 15 : i32
      %shift_right_logical3A_90 = vector.broadcast %shift_right_logical3A_89 : i32 to vector<32x256xi32>
      %shift_right_logical3A_91 = arith.shrui %add3A_84, %shift_right_logical3A_90 : vector<32x256xi32>
      %or3A_92 = arith.ori %shift_left3A_88, %shift_right_logical3A_91 : vector<32x256xi32>
      %xor3A_93 = arith.xori %or3A_92, %add3A_85 : vector<32x256xi32>
      %add3A_94 = arith.addi %add3A_85, %xor3A_93 : vector<32x256xi32>
      %shift_left3A_95 = arith.constant 29 : i32
      %shift_left3A_96 = vector.broadcast %shift_left3A_95 : i32 to vector<32x256xi32>
      %shift_left3A_97 = arith.shli %xor3A_93, %shift_left3A_96 : vector<32x256xi32>
      %shift_right_logical3A_98 = arith.constant 3 : i32
      %shift_right_logical3A_99 = vector.broadcast %shift_right_logical3A_98 : i32 to vector<32x256xi32>
      %shift_right_logical3A_100 = arith.shrui %xor3A_93, %shift_right_logical3A_99 : vector<32x256xi32>
      %or3A_101 = arith.ori %shift_left3A_97, %shift_right_logical3A_100 : vector<32x256xi32>
      %xor3A_102 = arith.xori %or3A_101, %add3A_94 : vector<32x256xi32>
      %add3A_103 = arith.addi %add3A_94, %xor3A_102 : vector<32x256xi32>
      %shift_left3A_104 = arith.constant 16 : i32
      %shift_left3A_105 = vector.broadcast %shift_left3A_104 : i32 to vector<32x256xi32>
      %shift_left3A_106 = arith.shli %xor3A_102, %shift_left3A_105 : vector<32x256xi32>
      %shift_right_logical3A_107 = arith.constant 16 : i32
      %shift_right_logical3A_108 = vector.broadcast %shift_right_logical3A_107 : i32 to vector<32x256xi32>
      %shift_right_logical3A_109 = arith.shrui %xor3A_102, %shift_right_logical3A_108 : vector<32x256xi32>
      %or3A_110 = arith.ori %shift_left3A_106, %shift_right_logical3A_109 : vector<32x256xi32>
      %xor3A_111 = arith.xori %or3A_110, %add3A_103 : vector<32x256xi32>
      %add3A_112 = arith.addi %add3A_103, %xor3A_111 : vector<32x256xi32>
      %shift_left3A_113 = arith.constant 24 : i32
      %shift_left3A_114 = vector.broadcast %shift_left3A_113 : i32 to vector<32x256xi32>
      %shift_left3A_115 = arith.shli %xor3A_111, %shift_left3A_114 : vector<32x256xi32>
      %shift_right_logical3A_116 = arith.constant 8 : i32
      %shift_right_logical3A_117 = vector.broadcast %shift_right_logical3A_116 : i32 to vector<32x256xi32>
      %shift_right_logical3A_118 = arith.shrui %xor3A_111, %shift_right_logical3A_117 : vector<32x256xi32>
      %or3A_119 = arith.ori %shift_left3A_115, %shift_right_logical3A_118 : vector<32x256xi32>
      %xor3A_120 = arith.xori %or3A_119, %add3A_112 : vector<32x256xi32>
      %add3A_121 = arith.constant 466689008 : i32
      %add3A_122 = vector.broadcast %add3A_121 : i32 to vector<32x256xi32>
      %add3A_123 = arith.addi %add3A_112, %add3A_122 : vector<32x256xi32>
      %add3A_124 = arith.constant 2 : i32
      %add3A_125 = vector.broadcast %add3A_124 : i32 to vector<32x256xi32>
      %add3A_126 = arith.addi %xor3A_120, %add3A_125 : vector<32x256xi32>
      %add3A_127 = arith.addi %add3A_123, %add3A_126 : vector<32x256xi32>
      %shift_left3A_128 = arith.constant 13 : i32
      %shift_left3A_129 = vector.broadcast %shift_left3A_128 : i32 to vector<32x256xi32>
      %shift_left3A_130 = arith.shli %add3A_126, %shift_left3A_129 : vector<32x256xi32>
      %shift_right_logical3A_131 = arith.constant 19 : i32
      %shift_right_logical3A_132 = vector.broadcast %shift_right_logical3A_131 : i32 to vector<32x256xi32>
      %shift_right_logical3A_133 = arith.shrui %add3A_126, %shift_right_logical3A_132 : vector<32x256xi32>
      %or3A_134 = arith.ori %shift_left3A_130, %shift_right_logical3A_133 : vector<32x256xi32>
      %xor3A_135 = arith.xori %or3A_134, %add3A_127 : vector<32x256xi32>
      %add3A_136 = arith.addi %add3A_127, %xor3A_135 : vector<32x256xi32>
      %shift_left3A_137 = arith.constant 15 : i32
      %shift_left3A_138 = vector.broadcast %shift_left3A_137 : i32 to vector<32x256xi32>
      %shift_left3A_139 = arith.shli %xor3A_135, %shift_left3A_138 : vector<32x256xi32>
      %shift_right_logical3A_140 = arith.constant 17 : i32
      %shift_right_logical3A_141 = vector.broadcast %shift_right_logical3A_140 : i32 to vector<32x256xi32>
      %shift_right_logical3A_142 = arith.shrui %xor3A_135, %shift_right_logical3A_141 : vector<32x256xi32>
      %or3A_143 = arith.ori %shift_left3A_139, %shift_right_logical3A_142 : vector<32x256xi32>
      %xor3A_144 = arith.xori %or3A_143, %add3A_136 : vector<32x256xi32>
      %add3A_145 = arith.addi %add3A_136, %xor3A_144 : vector<32x256xi32>
      %shift_left3A_146 = arith.constant 26 : i32
      %shift_left3A_147 = vector.broadcast %shift_left3A_146 : i32 to vector<32x256xi32>
      %shift_left3A_148 = arith.shli %xor3A_144, %shift_left3A_147 : vector<32x256xi32>
      %shift_right_logical3A_149 = arith.constant 6 : i32
      %shift_right_logical3A_150 = vector.broadcast %shift_right_logical3A_149 : i32 to vector<32x256xi32>
      %shift_right_logical3A_151 = arith.shrui %xor3A_144, %shift_right_logical3A_150 : vector<32x256xi32>
      %or3A_152 = arith.ori %shift_left3A_148, %shift_right_logical3A_151 : vector<32x256xi32>
      %xor3A_153 = arith.xori %or3A_152, %add3A_145 : vector<32x256xi32>
      %add3A_154 = arith.addi %add3A_145, %xor3A_153 : vector<32x256xi32>
      %shift_left3A_155 = arith.constant 6 : i32
      %shift_left3A_156 = vector.broadcast %shift_left3A_155 : i32 to vector<32x256xi32>
      %shift_left3A_157 = arith.shli %xor3A_153, %shift_left3A_156 : vector<32x256xi32>
      %shift_right_logical3A_158 = arith.constant 26 : i32
      %shift_right_logical3A_159 = vector.broadcast %shift_right_logical3A_158 : i32 to vector<32x256xi32>
      %shift_right_logical3A_160 = arith.shrui %xor3A_153, %shift_right_logical3A_159 : vector<32x256xi32>
      %or3A_161 = arith.ori %shift_left3A_157, %shift_right_logical3A_160 : vector<32x256xi32>
      %xor3A_162 = arith.xori %or3A_161, %add3A_154 : vector<32x256xi32>
      %add3A_163 = arith.constant 45 : i32
      %add3A_164 = vector.broadcast %add3A_163 : i32 to vector<32x256xi32>
      %add3A_165 = arith.addi %xor3A_162, %add3A_164 : vector<32x256xi32>
      %add3A_166 = arith.addi %add3A_154, %add3A_165 : vector<32x256xi32>
      %shift_left3A_167 = arith.constant 17 : i32
      %shift_left3A_168 = vector.broadcast %shift_left3A_167 : i32 to vector<32x256xi32>
      %shift_left3A_169 = arith.shli %add3A_165, %shift_left3A_168 : vector<32x256xi32>
      %shift_right_logical3A_170 = arith.constant 15 : i32
      %shift_right_logical3A_171 = vector.broadcast %shift_right_logical3A_170 : i32 to vector<32x256xi32>
      %shift_right_logical3A_172 = arith.shrui %add3A_165, %shift_right_logical3A_171 : vector<32x256xi32>
      %or3A_173 = arith.ori %shift_left3A_169, %shift_right_logical3A_172 : vector<32x256xi32>
      %xor3A_174 = arith.xori %or3A_173, %add3A_166 : vector<32x256xi32>
      %add3A_175 = arith.addi %add3A_166, %xor3A_174 : vector<32x256xi32>
      %shift_left3A_176 = arith.constant 29 : i32
      %shift_left3A_177 = vector.broadcast %shift_left3A_176 : i32 to vector<32x256xi32>
      %shift_left3A_178 = arith.shli %xor3A_174, %shift_left3A_177 : vector<32x256xi32>
      %shift_right_logical3A_179 = arith.constant 3 : i32
      %shift_right_logical3A_180 = vector.broadcast %shift_right_logical3A_179 : i32 to vector<32x256xi32>
      %shift_right_logical3A_181 = arith.shrui %xor3A_174, %shift_right_logical3A_180 : vector<32x256xi32>
      %or3A_182 = arith.ori %shift_left3A_178, %shift_right_logical3A_181 : vector<32x256xi32>
      %xor3A_183 = arith.xori %or3A_182, %add3A_175 : vector<32x256xi32>
      %add3A_184 = arith.addi %add3A_175, %xor3A_183 : vector<32x256xi32>
      %shift_left3A_185 = arith.constant 16 : i32
      %shift_left3A_186 = vector.broadcast %shift_left3A_185 : i32 to vector<32x256xi32>
      %shift_left3A_187 = arith.shli %xor3A_183, %shift_left3A_186 : vector<32x256xi32>
      %shift_right_logical3A_188 = arith.constant 16 : i32
      %shift_right_logical3A_189 = vector.broadcast %shift_right_logical3A_188 : i32 to vector<32x256xi32>
      %shift_right_logical3A_190 = arith.shrui %xor3A_183, %shift_right_logical3A_189 : vector<32x256xi32>
      %or3A_191 = arith.ori %shift_left3A_187, %shift_right_logical3A_190 : vector<32x256xi32>
      %xor3A_192 = arith.xori %or3A_191, %add3A_184 : vector<32x256xi32>
      %add3A_193 = arith.addi %add3A_184, %xor3A_192 : vector<32x256xi32>
      %shift_left3A_194 = arith.constant 24 : i32
      %shift_left3A_195 = vector.broadcast %shift_left3A_194 : i32 to vector<32x256xi32>
      %shift_left3A_196 = arith.shli %xor3A_192, %shift_left3A_195 : vector<32x256xi32>
      %shift_right_logical3A_197 = arith.constant 8 : i32
      %shift_right_logical3A_198 = vector.broadcast %shift_right_logical3A_197 : i32 to vector<32x256xi32>
      %shift_right_logical3A_199 = arith.shrui %xor3A_192, %shift_right_logical3A_198 : vector<32x256xi32>
      %or3A_200 = arith.ori %shift_left3A_196, %shift_right_logical3A_199 : vector<32x256xi32>
      %xor3A_201 = arith.xori %or3A_200, %add3A_193 : vector<32x256xi32>
      %add3A_202 = arith.constant 42 : i32
      %add3A_203 = vector.broadcast %add3A_202 : i32 to vector<32x256xi32>
      %add3A_204 = arith.addi %add3A_193, %add3A_203 : vector<32x256xi32>
      %add3A_205 = arith.constant 466689012 : i32
      %add3A_206 = vector.broadcast %add3A_205 : i32 to vector<32x256xi32>
      %add3A_207 = arith.addi %xor3A_201, %add3A_206 : vector<32x256xi32>
      %add3A_208 = arith.addi %add3A_204, %add3A_207 : vector<32x256xi32>
      %shift_left3A_209 = arith.constant 13 : i32
      %shift_left3A_210 = vector.broadcast %shift_left3A_209 : i32 to vector<32x256xi32>
      %shift_left3A_211 = arith.shli %add3A_207, %shift_left3A_210 : vector<32x256xi32>
      %shift_right_logical3A_212 = arith.constant 19 : i32
      %shift_right_logical3A_213 = vector.broadcast %shift_right_logical3A_212 : i32 to vector<32x256xi32>
      %shift_right_logical3A_214 = arith.shrui %add3A_207, %shift_right_logical3A_213 : vector<32x256xi32>
      %or3A_215 = arith.ori %shift_left3A_211, %shift_right_logical3A_214 : vector<32x256xi32>
      %xor3A_216 = arith.xori %or3A_215, %add3A_208 : vector<32x256xi32>
      %add3A_217 = arith.addi %add3A_208, %xor3A_216 : vector<32x256xi32>
      %shift_left3A_218 = arith.constant 15 : i32
      %shift_left3A_219 = vector.broadcast %shift_left3A_218 : i32 to vector<32x256xi32>
      %shift_left3A_220 = arith.shli %xor3A_216, %shift_left3A_219 : vector<32x256xi32>
      %shift_right_logical3A_221 = arith.constant 17 : i32
      %shift_right_logical3A_222 = vector.broadcast %shift_right_logical3A_221 : i32 to vector<32x256xi32>
      %shift_right_logical3A_223 = arith.shrui %xor3A_216, %shift_right_logical3A_222 : vector<32x256xi32>
      %or3A_224 = arith.ori %shift_left3A_220, %shift_right_logical3A_223 : vector<32x256xi32>
      %xor3A_225 = arith.xori %or3A_224, %add3A_217 : vector<32x256xi32>
      %add3A_226 = arith.addi %add3A_217, %xor3A_225 : vector<32x256xi32>
      %shift_left3A_227 = arith.constant 26 : i32
      %shift_left3A_228 = vector.broadcast %shift_left3A_227 : i32 to vector<32x256xi32>
      %shift_left3A_229 = arith.shli %xor3A_225, %shift_left3A_228 : vector<32x256xi32>
      %shift_right_logical3A_230 = arith.constant 6 : i32
      %shift_right_logical3A_231 = vector.broadcast %shift_right_logical3A_230 : i32 to vector<32x256xi32>
      %shift_right_logical3A_232 = arith.shrui %xor3A_225, %shift_right_logical3A_231 : vector<32x256xi32>
      %or3A_233 = arith.ori %shift_left3A_229, %shift_right_logical3A_232 : vector<32x256xi32>
      %xor3A_234 = arith.xori %or3A_233, %add3A_226 : vector<32x256xi32>
      %add3A_235 = arith.addi %add3A_226, %xor3A_234 : vector<32x256xi32>
      %shift_left3A_236 = arith.constant 6 : i32
      %shift_left3A_237 = vector.broadcast %shift_left3A_236 : i32 to vector<32x256xi32>
      %shift_left3A_238 = arith.shli %xor3A_234, %shift_left3A_237 : vector<32x256xi32>
      %shift_right_logical3A_239 = arith.constant 26 : i32
      %shift_right_logical3A_240 = vector.broadcast %shift_right_logical3A_239 : i32 to vector<32x256xi32>
      %shift_right_logical3A_241 = arith.shrui %xor3A_234, %shift_right_logical3A_240 : vector<32x256xi32>
      %or3A_242 = arith.ori %shift_left3A_238, %shift_right_logical3A_241 : vector<32x256xi32>
      %xor3A_243 = arith.xori %or3A_242, %add3A_235 : vector<32x256xi32>
      %add3A_244 = arith.constant 466689008 : i32
      %add3A_245 = vector.broadcast %add3A_244 : i32 to vector<32x256xi32>
      %add3A_246 = arith.addi %add3A_235, %add3A_245 : vector<32x256xi32>
      %add3A_247 = arith.constant 5 : i32
      %add3A_248 = vector.broadcast %add3A_247 : i32 to vector<32x256xi32>
      %add3A_249 = arith.addi %xor3A_243, %add3A_248 : vector<32x256xi32>
      %xor3A_250 = arith.xori %add3A_246, %add3A_249 : vector<32x256xi32>
      %shift_right_logical3A_251 = arith.constant 9 : i32
      %shift_right_logical3A_252 = vector.broadcast %shift_right_logical3A_251 : i32 to vector<32x256xi32>
      %shift_right_logical3A_253 = arith.shrui %xor3A_250, %shift_right_logical3A_252 : vector<32x256xi32>
      %or3A_254 = arith.constant 1065353216 : i32
      %or3A_255 = vector.broadcast %or3A_254 : i32 to vector<32x256xi32>
      %or3A_256 = arith.ori %shift_right_logical3A_253, %or3A_255 : vector<32x256xi32>
      %bitcast_convert_type3A = tpu.bitcast %or3A_256 : vector<32x256xi32> -> vector<32x256xf32>
      %sub3A = arith.constant 1.000000e+00 : f32
      %sub3A_257 = vector.broadcast %sub3A : f32 to vector<32x256xf32>
      %sub3A_258 = arith.subf %bitcast_convert_type3A, %sub3A_257 : vector<32x256xf32>
      %log3A = math.log %sub3A_258 : vector<32x256xf32>
      %log3A_259 = arith.constant 2.000000e+00 : f32
      %log3A_260 = math.log %log3A_259 : f32
      %div3A = vector.broadcast %log3A_260 : f32 to vector<32x256xf32>
      %div3A_261 = arith.divf %log3A, %div3A : vector<32x256xf32>
      %get3A = arith.index_cast %add3A_35 : i32 to index
      %get3A_262 = arith.constant 0 : index
      %get3A_263 = vector.load %arg1[%get3A, %get3A_262] : memref<392x256xf32, #tpu.memory_space<vmem>>, vector<1x256xf32>
      %get3A_264 = vector.shape_cast %get3A_263 : vector<1x256xf32> to vector<256xf32>
      %broadcast_in_dim3A_265 = vector.shape_cast %get3A_264 : vector<256xf32> to vector<1x256xf32>
      %mul3A_266 = vector.broadcast %broadcast_in_dim3A_265 : vector<1x256xf32> to vector<32x256xf32>
      %mul3A_267 = arith.mulf %div3A_261, %mul3A_266 : vector<32x256xf32>
      %mul3A_268 = arith.constant 8 : i32
      %mul3A_269 = arith.muli %scan3A_29, %mul3A_268 : i32
      %add3A_270 = arith.constant 1 : i32
      %add3A_271 = arith.addi %mul3A_269, %add3A_270 : i32
      %mul3A_272 = arith.constant 256 : i32
      %mul3A_273 = arith.muli %add3A_271, %mul3A_272 : i32
      %add3A_274 = vector.broadcast %mul3A_273 : i32 to vector<32x256xi32>
      %add3A_275 = arith.addi %iota3A_9, %add3A_274 : vector<32x256xi32>
      %add3A_276 = arith.addi %shift_left3A_8, %add3A_275 : vector<32x256xi32>
      %lt3A_277 = arith.cmpi ult, %add3A_276, %shift_left3A_8 : vector<32x256xi32>
      %convert_element_type3A_278 = arith.extui %lt3A_277 : vector<32x256xi1> to vector<32x256xi32>
      %add3A_279 = arith.addi %shift_right_logical3A_6, %convert_element_type3A_278 : vector<32x256xi32>
      %add3A_280 = arith.constant 42 : i32
      %add3A_281 = vector.broadcast %add3A_280 : i32 to vector<32x256xi32>
      %add3A_282 = arith.addi %add3A_276, %add3A_281 : vector<32x256xi32>
      %add3A_283 = arith.addi %add3A_279, %add3A_282 : vector<32x256xi32>
      %shift_left3A_284 = arith.constant 13 : i32
      %shift_left3A_285 = vector.broadcast %shift_left3A_284 : i32 to vector<32x256xi32>
      %shift_left3A_286 = arith.shli %add3A_282, %shift_left3A_285 : vector<32x256xi32>
      %shift_right_logical3A_287 = arith.constant 19 : i32
      %shift_right_logical3A_288 = vector.broadcast %shift_right_logical3A_287 : i32 to vector<32x256xi32>
      %shift_right_logical3A_289 = arith.shrui %add3A_282, %shift_right_logical3A_288 : vector<32x256xi32>
      %or3A_290 = arith.ori %shift_left3A_286, %shift_right_logical3A_289 : vector<32x256xi32>
      %xor3A_291 = arith.xori %or3A_290, %add3A_283 : vector<32x256xi32>
      %add3A_292 = arith.addi %add3A_283, %xor3A_291 : vector<32x256xi32>
      %shift_left3A_293 = arith.constant 15 : i32
      %shift_left3A_294 = vector.broadcast %shift_left3A_293 : i32 to vector<32x256xi32>
      %shift_left3A_295 = arith.shli %xor3A_291, %shift_left3A_294 : vector<32x256xi32>
      %shift_right_logical3A_296 = arith.constant 17 : i32
      %shift_right_logical3A_297 = vector.broadcast %shift_right_logical3A_296 : i32 to vector<32x256xi32>
      %shift_right_logical3A_298 = arith.shrui %xor3A_291, %shift_right_logical3A_297 : vector<32x256xi32>
      %or3A_299 = arith.ori %shift_left3A_295, %shift_right_logical3A_298 : vector<32x256xi32>
      %xor3A_300 = arith.xori %or3A_299, %add3A_292 : vector<32x256xi32>
      %add3A_301 = arith.addi %add3A_292, %xor3A_300 : vector<32x256xi32>
      %shift_left3A_302 = arith.constant 26 : i32
      %shift_left3A_303 = vector.broadcast %shift_left3A_302 : i32 to vector<32x256xi32>
      %shift_left3A_304 = arith.shli %xor3A_300, %shift_left3A_303 : vector<32x256xi32>
      %shift_right_logical3A_305 = arith.constant 6 : i32
      %shift_right_logical3A_306 = vector.broadcast %shift_right_logical3A_305 : i32 to vector<32x256xi32>
      %shift_right_logical3A_307 = arith.shrui %xor3A_300, %shift_right_logical3A_306 : vector<32x256xi32>
      %or3A_308 = arith.ori %shift_left3A_304, %shift_right_logical3A_307 : vector<32x256xi32>
      %xor3A_309 = arith.xori %or3A_308, %add3A_301 : vector<32x256xi32>
      %add3A_310 = arith.addi %add3A_301, %xor3A_309 : vector<32x256xi32>
      %shift_left3A_311 = arith.constant 6 : i32
      %shift_left3A_312 = vector.broadcast %shift_left3A_311 : i32 to vector<32x256xi32>
      %shift_left3A_313 = arith.shli %xor3A_309, %shift_left3A_312 : vector<32x256xi32>
      %shift_right_logical3A_314 = arith.constant 26 : i32
      %shift_right_logical3A_315 = vector.broadcast %shift_right_logical3A_314 : i32 to vector<32x256xi32>
      %shift_right_logical3A_316 = arith.shrui %xor3A_309, %shift_right_logical3A_315 : vector<32x256xi32>
      %or3A_317 = arith.ori %shift_left3A_313, %shift_right_logical3A_316 : vector<32x256xi32>
      %xor3A_318 = arith.xori %or3A_317, %add3A_310 : vector<32x256xi32>
      %add3A_319 = arith.constant 42 : i32
      %add3A_320 = vector.broadcast %add3A_319 : i32 to vector<32x256xi32>
      %add3A_321 = arith.addi %add3A_310, %add3A_320 : vector<32x256xi32>
      %add3A_322 = arith.constant 466689009 : i32
      %add3A_323 = vector.broadcast %add3A_322 : i32 to vector<32x256xi32>
      %add3A_324 = arith.addi %xor3A_318, %add3A_323 : vector<32x256xi32>
      %add3A_325 = arith.addi %add3A_321, %add3A_324 : vector<32x256xi32>
      %shift_left3A_326 = arith.constant 17 : i32
      %shift_left3A_327 = vector.broadcast %shift_left3A_326 : i32 to vector<32x256xi32>
      %shift_left3A_328 = arith.shli %add3A_324, %shift_left3A_327 : vector<32x256xi32>
      %shift_right_logical3A_329 = arith.constant 15 : i32
      %shift_right_logical3A_330 = vector.broadcast %shift_right_logical3A_329 : i32 to vector<32x256xi32>
      %shift_right_logical3A_331 = arith.shrui %add3A_324, %shift_right_logical3A_330 : vector<32x256xi32>
      %or3A_332 = arith.ori %shift_left3A_328, %shift_right_logical3A_331 : vector<32x256xi32>
      %xor3A_333 = arith.xori %or3A_332, %add3A_325 : vector<32x256xi32>
      %add3A_334 = arith.addi %add3A_325, %xor3A_333 : vector<32x256xi32>
      %shift_left3A_335 = arith.constant 29 : i32
      %shift_left3A_336 = vector.broadcast %shift_left3A_335 : i32 to vector<32x256xi32>
      %shift_left3A_337 = arith.shli %xor3A_333, %shift_left3A_336 : vector<32x256xi32>
      %shift_right_logical3A_338 = arith.constant 3 : i32
      %shift_right_logical3A_339 = vector.broadcast %shift_right_logical3A_338 : i32 to vector<32x256xi32>
      %shift_right_logical3A_340 = arith.shrui %xor3A_333, %shift_right_logical3A_339 : vector<32x256xi32>
      %or3A_341 = arith.ori %shift_left3A_337, %shift_right_logical3A_340 : vector<32x256xi32>
      %xor3A_342 = arith.xori %or3A_341, %add3A_334 : vector<32x256xi32>
      %add3A_343 = arith.addi %add3A_334, %xor3A_342 : vector<32x256xi32>
      %shift_left3A_344 = arith.constant 16 : i32
      %shift_left3A_345 = vector.broadcast %shift_left3A_344 : i32 to vector<32x256xi32>
      %shift_left3A_346 = arith.shli %xor3A_342, %shift_left3A_345 : vector<32x256xi32>
      %shift_right_logical3A_347 = arith.constant 16 : i32
      %shift_right_logical3A_348 = vector.broadcast %shift_right_logical3A_347 : i32 to vector<32x256xi32>
      %shift_right_logical3A_349 = arith.shrui %xor3A_342, %shift_right_logical3A_348 : vector<32x256xi32>
      %or3A_350 = arith.ori %shift_left3A_346, %shift_right_logical3A_349 : vector<32x256xi32>
      %xor3A_351 = arith.xori %or3A_350, %add3A_343 : vector<32x256xi32>
      %add3A_352 = arith.addi %add3A_343, %xor3A_351 : vector<32x256xi32>
      %shift_left3A_353 = arith.constant 24 : i32
      %shift_left3A_354 = vector.broadcast %shift_left3A_353 : i32 to vector<32x256xi32>
      %shift_left3A_355 = arith.shli %xor3A_351, %shift_left3A_354 : vector<32x256xi32>
      %shift_right_logical3A_356 = arith.constant 8 : i32
      %shift_right_logical3A_357 = vector.broadcast %shift_right_logical3A_356 : i32 to vector<32x256xi32>
      %shift_right_logical3A_358 = arith.shrui %xor3A_351, %shift_right_logical3A_357 : vector<32x256xi32>
      %or3A_359 = arith.ori %shift_left3A_355, %shift_right_logical3A_358 : vector<32x256xi32>
      %xor3A_360 = arith.xori %or3A_359, %add3A_352 : vector<32x256xi32>
      %add3A_361 = arith.constant 466689008 : i32
      %add3A_362 = vector.broadcast %add3A_361 : i32 to vector<32x256xi32>
      %add3A_363 = arith.addi %add3A_352, %add3A_362 : vector<32x256xi32>
      %add3A_364 = arith.constant 2 : i32
      %add3A_365 = vector.broadcast %add3A_364 : i32 to vector<32x256xi32>
      %add3A_366 = arith.addi %xor3A_360, %add3A_365 : vector<32x256xi32>
      %add3A_367 = arith.addi %add3A_363, %add3A_366 : vector<32x256xi32>
      %shift_left3A_368 = arith.constant 13 : i32
      %shift_left3A_369 = vector.broadcast %shift_left3A_368 : i32 to vector<32x256xi32>
      %shift_left3A_370 = arith.shli %add3A_366, %shift_left3A_369 : vector<32x256xi32>
      %shift_right_logical3A_371 = arith.constant 19 : i32
      %shift_right_logical3A_372 = vector.broadcast %shift_right_logical3A_371 : i32 to vector<32x256xi32>
      %shift_right_logical3A_373 = arith.shrui %add3A_366, %shift_right_logical3A_372 : vector<32x256xi32>
      %or3A_374 = arith.ori %shift_left3A_370, %shift_right_logical3A_373 : vector<32x256xi32>
      %xor3A_375 = arith.xori %or3A_374, %add3A_367 : vector<32x256xi32>
      %add3A_376 = arith.addi %add3A_367, %xor3A_375 : vector<32x256xi32>
      %shift_left3A_377 = arith.constant 15 : i32
      %shift_left3A_378 = vector.broadcast %shift_left3A_377 : i32 to vector<32x256xi32>
      %shift_left3A_379 = arith.shli %xor3A_375, %shift_left3A_378 : vector<32x256xi32>
      %shift_right_logical3A_380 = arith.constant 17 : i32
      %shift_right_logical3A_381 = vector.broadcast %shift_right_logical3A_380 : i32 to vector<32x256xi32>
      %shift_right_logical3A_382 = arith.shrui %xor3A_375, %shift_right_logical3A_381 : vector<32x256xi32>
      %or3A_383 = arith.ori %shift_left3A_379, %shift_right_logical3A_382 : vector<32x256xi32>
      %xor3A_384 = arith.xori %or3A_383, %add3A_376 : vector<32x256xi32>
      %add3A_385 = arith.addi %add3A_376, %xor3A_384 : vector<32x256xi32>
      %shift_left3A_386 = arith.constant 26 : i32
      %shift_left3A_387 = vector.broadcast %shift_left3A_386 : i32 to vector<32x256xi32>
      %shift_left3A_388 = arith.shli %xor3A_384, %shift_left3A_387 : vector<32x256xi32>
      %shift_right_logical3A_389 = arith.constant 6 : i32
      %shift_right_logical3A_390 = vector.broadcast %shift_right_logical3A_389 : i32 to vector<32x256xi32>
      %shift_right_logical3A_391 = arith.shrui %xor3A_384, %shift_right_logical3A_390 : vector<32x256xi32>
      %or3A_392 = arith.ori %shift_left3A_388, %shift_right_logical3A_391 : vector<32x256xi32>
      %xor3A_393 = arith.xori %or3A_392, %add3A_385 : vector<32x256xi32>
      %add3A_394 = arith.addi %add3A_385, %xor3A_393 : vector<32x256xi32>
      %shift_left3A_395 = arith.constant 6 : i32
      %shift_left3A_396 = vector.broadcast %shift_left3A_395 : i32 to vector<32x256xi32>
      %shift_left3A_397 = arith.shli %xor3A_393, %shift_left3A_396 : vector<32x256xi32>
      %shift_right_logical3A_398 = arith.constant 26 : i32
      %shift_right_logical3A_399 = vector.broadcast %shift_right_logical3A_398 : i32 to vector<32x256xi32>
      %shift_right_logical3A_400 = arith.shrui %xor3A_393, %shift_right_logical3A_399 : vector<32x256xi32>
      %or3A_401 = arith.ori %shift_left3A_397, %shift_right_logical3A_400 : vector<32x256xi32>
      %xor3A_402 = arith.xori %or3A_401, %add3A_394 : vector<32x256xi32>
      %add3A_403 = arith.constant 45 : i32
      %add3A_404 = vector.broadcast %add3A_403 : i32 to vector<32x256xi32>
      %add3A_405 = arith.addi %xor3A_402, %add3A_404 : vector<32x256xi32>
      %add3A_406 = arith.addi %add3A_394, %add3A_405 : vector<32x256xi32>
      %shift_left3A_407 = arith.constant 17 : i32
      %shift_left3A_408 = vector.broadcast %shift_left3A_407 : i32 to vector<32x256xi32>
      %shift_left3A_409 = arith.shli %add3A_405, %shift_left3A_408 : vector<32x256xi32>
      %shift_right_logical3A_410 = arith.constant 15 : i32
      %shift_right_logical3A_411 = vector.broadcast %shift_right_logical3A_410 : i32 to vector<32x256xi32>
      %shift_right_logical3A_412 = arith.shrui %add3A_405, %shift_right_logical3A_411 : vector<32x256xi32>
      %or3A_413 = arith.ori %shift_left3A_409, %shift_right_logical3A_412 : vector<32x256xi32>
      %xor3A_414 = arith.xori %or3A_413, %add3A_406 : vector<32x256xi32>
      %add3A_415 = arith.addi %add3A_406, %xor3A_414 : vector<32x256xi32>
      %shift_left3A_416 = arith.constant 29 : i32
      %shift_left3A_417 = vector.broadcast %shift_left3A_416 : i32 to vector<32x256xi32>
      %shift_left3A_418 = arith.shli %xor3A_414, %shift_left3A_417 : vector<32x256xi32>
      %shift_right_logical3A_419 = arith.constant 3 : i32
      %shift_right_logical3A_420 = vector.broadcast %shift_right_logical3A_419 : i32 to vector<32x256xi32>
      %shift_right_logical3A_421 = arith.shrui %xor3A_414, %shift_right_logical3A_420 : vector<32x256xi32>
      %or3A_422 = arith.ori %shift_left3A_418, %shift_right_logical3A_421 : vector<32x256xi32>
      %xor3A_423 = arith.xori %or3A_422, %add3A_415 : vector<32x256xi32>
      %add3A_424 = arith.addi %add3A_415, %xor3A_423 : vector<32x256xi32>
      %shift_left3A_425 = arith.constant 16 : i32
      %shift_left3A_426 = vector.broadcast %shift_left3A_425 : i32 to vector<32x256xi32>
      %shift_left3A_427 = arith.shli %xor3A_423, %shift_left3A_426 : vector<32x256xi32>
      %shift_right_logical3A_428 = arith.constant 16 : i32
      %shift_right_logical3A_429 = vector.broadcast %shift_right_logical3A_428 : i32 to vector<32x256xi32>
      %shift_right_logical3A_430 = arith.shrui %xor3A_423, %shift_right_logical3A_429 : vector<32x256xi32>
      %or3A_431 = arith.ori %shift_left3A_427, %shift_right_logical3A_430 : vector<32x256xi32>
      %xor3A_432 = arith.xori %or3A_431, %add3A_424 : vector<32x256xi32>
      %add3A_433 = arith.addi %add3A_424, %xor3A_432 : vector<32x256xi32>
      %shift_left3A_434 = arith.constant 24 : i32
      %shift_left3A_435 = vector.broadcast %shift_left3A_434 : i32 to vector<32x256xi32>
      %shift_left3A_436 = arith.shli %xor3A_432, %shift_left3A_435 : vector<32x256xi32>
      %shift_right_logical3A_437 = arith.constant 8 : i32
      %shift_right_logical3A_438 = vector.broadcast %shift_right_logical3A_437 : i32 to vector<32x256xi32>
      %shift_right_logical3A_439 = arith.shrui %xor3A_432, %shift_right_logical3A_438 : vector<32x256xi32>
      %or3A_440 = arith.ori %shift_left3A_436, %shift_right_logical3A_439 : vector<32x256xi32>
      %xor3A_441 = arith.xori %or3A_440, %add3A_433 : vector<32x256xi32>
      %add3A_442 = arith.constant 42 : i32
      %add3A_443 = vector.broadcast %add3A_442 : i32 to vector<32x256xi32>
      %add3A_444 = arith.addi %add3A_433, %add3A_443 : vector<32x256xi32>
      %add3A_445 = arith.constant 466689012 : i32
      %add3A_446 = vector.broadcast %add3A_445 : i32 to vector<32x256xi32>
      %add3A_447 = arith.addi %xor3A_441, %add3A_446 : vector<32x256xi32>
      %add3A_448 = arith.addi %add3A_444, %add3A_447 : vector<32x256xi32>
      %shift_left3A_449 = arith.constant 13 : i32
      %shift_left3A_450 = vector.broadcast %shift_left3A_449 : i32 to vector<32x256xi32>
      %shift_left3A_451 = arith.shli %add3A_447, %shift_left3A_450 : vector<32x256xi32>
      %shift_right_logical3A_452 = arith.constant 19 : i32
      %shift_right_logical3A_453 = vector.broadcast %shift_right_logical3A_452 : i32 to vector<32x256xi32>
      %shift_right_logical3A_454 = arith.shrui %add3A_447, %shift_right_logical3A_453 : vector<32x256xi32>
      %or3A_455 = arith.ori %shift_left3A_451, %shift_right_logical3A_454 : vector<32x256xi32>
      %xor3A_456 = arith.xori %or3A_455, %add3A_448 : vector<32x256xi32>
      %add3A_457 = arith.addi %add3A_448, %xor3A_456 : vector<32x256xi32>
      %shift_left3A_458 = arith.constant 15 : i32
      %shift_left3A_459 = vector.broadcast %shift_left3A_458 : i32 to vector<32x256xi32>
      %shift_left3A_460 = arith.shli %xor3A_456, %shift_left3A_459 : vector<32x256xi32>
      %shift_right_logical3A_461 = arith.constant 17 : i32
      %shift_right_logical3A_462 = vector.broadcast %shift_right_logical3A_461 : i32 to vector<32x256xi32>
      %shift_right_logical3A_463 = arith.shrui %xor3A_456, %shift_right_logical3A_462 : vector<32x256xi32>
      %or3A_464 = arith.ori %shift_left3A_460, %shift_right_logical3A_463 : vector<32x256xi32>
      %xor3A_465 = arith.xori %or3A_464, %add3A_457 : vector<32x256xi32>
      %add3A_466 = arith.addi %add3A_457, %xor3A_465 : vector<32x256xi32>
      %shift_left3A_467 = arith.constant 26 : i32
      %shift_left3A_468 = vector.broadcast %shift_left3A_467 : i32 to vector<32x256xi32>
      %shift_left3A_469 = arith.shli %xor3A_465, %shift_left3A_468 : vector<32x256xi32>
      %shift_right_logical3A_470 = arith.constant 6 : i32
      %shift_right_logical3A_471 = vector.broadcast %shift_right_logical3A_470 : i32 to vector<32x256xi32>
      %shift_right_logical3A_472 = arith.shrui %xor3A_465, %shift_right_logical3A_471 : vector<32x256xi32>
      %or3A_473 = arith.ori %shift_left3A_469, %shift_right_logical3A_472 : vector<32x256xi32>
      %xor3A_474 = arith.xori %or3A_473, %add3A_466 : vector<32x256xi32>
      %add3A_475 = arith.addi %add3A_466, %xor3A_474 : vector<32x256xi32>
      %shift_left3A_476 = arith.constant 6 : i32
      %shift_left3A_477 = vector.broadcast %shift_left3A_476 : i32 to vector<32x256xi32>
      %shift_left3A_478 = arith.shli %xor3A_474, %shift_left3A_477 : vector<32x256xi32>
      %shift_right_logical3A_479 = arith.constant 26 : i32
      %shift_right_logical3A_480 = vector.broadcast %shift_right_logical3A_479 : i32 to vector<32x256xi32>
      %shift_right_logical3A_481 = arith.shrui %xor3A_474, %shift_right_logical3A_480 : vector<32x256xi32>
      %or3A_482 = arith.ori %shift_left3A_478, %shift_right_logical3A_481 : vector<32x256xi32>
      %xor3A_483 = arith.xori %or3A_482, %add3A_475 : vector<32x256xi32>
      %add3A_484 = arith.constant 466689008 : i32
      %add3A_485 = vector.broadcast %add3A_484 : i32 to vector<32x256xi32>
      %add3A_486 = arith.addi %add3A_475, %add3A_485 : vector<32x256xi32>
      %add3A_487 = arith.constant 5 : i32
      %add3A_488 = vector.broadcast %add3A_487 : i32 to vector<32x256xi32>
      %add3A_489 = arith.addi %xor3A_483, %add3A_488 : vector<32x256xi32>
      %xor3A_490 = arith.xori %add3A_486, %add3A_489 : vector<32x256xi32>
      %shift_right_logical3A_491 = arith.constant 9 : i32
      %shift_right_logical3A_492 = vector.broadcast %shift_right_logical3A_491 : i32 to vector<32x256xi32>
      %shift_right_logical3A_493 = arith.shrui %xor3A_490, %shift_right_logical3A_492 : vector<32x256xi32>
      %or3A_494 = arith.constant 1065353216 : i32
      %or3A_495 = vector.broadcast %or3A_494 : i32 to vector<32x256xi32>
      %or3A_496 = arith.ori %shift_right_logical3A_493, %or3A_495 : vector<32x256xi32>
      %bitcast_convert_type3A_497 = tpu.bitcast %or3A_496 : vector<32x256xi32> -> vector<32x256xf32>
      %sub3A_498 = arith.constant 1.000000e+00 : f32
      %sub3A_499 = vector.broadcast %sub3A_498 : f32 to vector<32x256xf32>
      %sub3A_500 = arith.subf %bitcast_convert_type3A_497, %sub3A_499 : vector<32x256xf32>
      %log3A_501 = math.log %sub3A_500 : vector<32x256xf32>
      %log3A_502 = arith.constant 2.000000e+00 : f32
      %log3A_503 = math.log %log3A_502 : f32
      %div3A_504 = vector.broadcast %log3A_503 : f32 to vector<32x256xf32>
      %div3A_505 = arith.divf %log3A_501, %div3A_504 : vector<32x256xf32>
      %get3A_506 = arith.index_cast %add3A_271 : i32 to index
      %get3A_507 = arith.constant 0 : index
      %get3A_508 = vector.load %arg1[%get3A_506, %get3A_507] : memref<392x256xf32, #tpu.memory_space<vmem>>, vector<1x256xf32>
      %get3A_509 = vector.shape_cast %get3A_508 : vector<1x256xf32> to vector<256xf32>
      %broadcast_in_dim3A_510 = vector.shape_cast %get3A_509 : vector<256xf32> to vector<1x256xf32>
      %mul3A_511 = vector.broadcast %broadcast_in_dim3A_510 : vector<1x256xf32> to vector<32x256xf32>
      %mul3A_512 = arith.mulf %div3A_505, %mul3A_511 : vector<32x256xf32>
      %mul3A_513 = arith.constant 8 : i32
      %mul3A_514 = arith.muli %scan3A_29, %mul3A_513 : i32
      %add3A_515 = arith.constant 2 : i32
      %add3A_516 = arith.addi %mul3A_514, %add3A_515 : i32
      %mul3A_517 = arith.constant 256 : i32
      %mul3A_518 = arith.muli %add3A_516, %mul3A_517 : i32
      %add3A_519 = vector.broadcast %mul3A_518 : i32 to vector<32x256xi32>
      %add3A_520 = arith.addi %iota3A_9, %add3A_519 : vector<32x256xi32>
      %add3A_521 = arith.addi %shift_left3A_8, %add3A_520 : vector<32x256xi32>
      %lt3A_522 = arith.cmpi ult, %add3A_521, %shift_left3A_8 : vector<32x256xi32>
      %convert_element_type3A_523 = arith.extui %lt3A_522 : vector<32x256xi1> to vector<32x256xi32>
      %add3A_524 = arith.addi %shift_right_logical3A_6, %convert_element_type3A_523 : vector<32x256xi32>
      %add3A_525 = arith.constant 42 : i32
      %add3A_526 = vector.broadcast %add3A_525 : i32 to vector<32x256xi32>
      %add3A_527 = arith.addi %add3A_521, %add3A_526 : vector<32x256xi32>
      %add3A_528 = arith.addi %add3A_524, %add3A_527 : vector<32x256xi32>
      %shift_left3A_529 = arith.constant 13 : i32
      %shift_left3A_530 = vector.broadcast %shift_left3A_529 : i32 to vector<32x256xi32>
      %shift_left3A_531 = arith.shli %add3A_527, %shift_left3A_530 : vector<32x256xi32>
      %shift_right_logical3A_532 = arith.constant 19 : i32
      %shift_right_logical3A_533 = vector.broadcast %shift_right_logical3A_532 : i32 to vector<32x256xi32>
      %shift_right_logical3A_534 = arith.shrui %add3A_527, %shift_right_logical3A_533 : vector<32x256xi32>
      %or3A_535 = arith.ori %shift_left3A_531, %shift_right_logical3A_534 : vector<32x256xi32>
      %xor3A_536 = arith.xori %or3A_535, %add3A_528 : vector<32x256xi32>
      %add3A_537 = arith.addi %add3A_528, %xor3A_536 : vector<32x256xi32>
      %shift_left3A_538 = arith.constant 15 : i32
      %shift_left3A_539 = vector.broadcast %shift_left3A_538 : i32 to vector<32x256xi32>
      %shift_left3A_540 = arith.shli %xor3A_536, %shift_left3A_539 : vector<32x256xi32>
      %shift_right_logical3A_541 = arith.constant 17 : i32
      %shift_right_logical3A_542 = vector.broadcast %shift_right_logical3A_541 : i32 to vector<32x256xi32>
      %shift_right_logical3A_543 = arith.shrui %xor3A_536, %shift_right_logical3A_542 : vector<32x256xi32>
      %or3A_544 = arith.ori %shift_left3A_540, %shift_right_logical3A_543 : vector<32x256xi32>
      %xor3A_545 = arith.xori %or3A_544, %add3A_537 : vector<32x256xi32>
      %add3A_546 = arith.addi %add3A_537, %xor3A_545 : vector<32x256xi32>
      %shift_left3A_547 = arith.constant 26 : i32
      %shift_left3A_548 = vector.broadcast %shift_left3A_547 : i32 to vector<32x256xi32>
      %shift_left3A_549 = arith.shli %xor3A_545, %shift_left3A_548 : vector<32x256xi32>
      %shift_right_logical3A_550 = arith.constant 6 : i32
      %shift_right_logical3A_551 = vector.broadcast %shift_right_logical3A_550 : i32 to vector<32x256xi32>
      %shift_right_logical3A_552 = arith.shrui %xor3A_545, %shift_right_logical3A_551 : vector<32x256xi32>
      %or3A_553 = arith.ori %shift_left3A_549, %shift_right_logical3A_552 : vector<32x256xi32>
      %xor3A_554 = arith.xori %or3A_553, %add3A_546 : vector<32x256xi32>
      %add3A_555 = arith.addi %add3A_546, %xor3A_554 : vector<32x256xi32>
      %shift_left3A_556 = arith.constant 6 : i32
      %shift_left3A_557 = vector.broadcast %shift_left3A_556 : i32 to vector<32x256xi32>
      %shift_left3A_558 = arith.shli %xor3A_554, %shift_left3A_557 : vector<32x256xi32>
      %shift_right_logical3A_559 = arith.constant 26 : i32
      %shift_right_logical3A_560 = vector.broadcast %shift_right_logical3A_559 : i32 to vector<32x256xi32>
      %shift_right_logical3A_561 = arith.shrui %xor3A_554, %shift_right_logical3A_560 : vector<32x256xi32>
      %or3A_562 = arith.ori %shift_left3A_558, %shift_right_logical3A_561 : vector<32x256xi32>
      %xor3A_563 = arith.xori %or3A_562, %add3A_555 : vector<32x256xi32>
      %add3A_564 = arith.constant 42 : i32
      %add3A_565 = vector.broadcast %add3A_564 : i32 to vector<32x256xi32>
      %add3A_566 = arith.addi %add3A_555, %add3A_565 : vector<32x256xi32>
      %add3A_567 = arith.constant 466689009 : i32
      %add3A_568 = vector.broadcast %add3A_567 : i32 to vector<32x256xi32>
      %add3A_569 = arith.addi %xor3A_563, %add3A_568 : vector<32x256xi32>
      %add3A_570 = arith.addi %add3A_566, %add3A_569 : vector<32x256xi32>
      %shift_left3A_571 = arith.constant 17 : i32
      %shift_left3A_572 = vector.broadcast %shift_left3A_571 : i32 to vector<32x256xi32>
      %shift_left3A_573 = arith.shli %add3A_569, %shift_left3A_572 : vector<32x256xi32>
      %shift_right_logical3A_574 = arith.constant 15 : i32
      %shift_right_logical3A_575 = vector.broadcast %shift_right_logical3A_574 : i32 to vector<32x256xi32>
      %shift_right_logical3A_576 = arith.shrui %add3A_569, %shift_right_logical3A_575 : vector<32x256xi32>
      %or3A_577 = arith.ori %shift_left3A_573, %shift_right_logical3A_576 : vector<32x256xi32>
      %xor3A_578 = arith.xori %or3A_577, %add3A_570 : vector<32x256xi32>
      %add3A_579 = arith.addi %add3A_570, %xor3A_578 : vector<32x256xi32>
      %shift_left3A_580 = arith.constant 29 : i32
      %shift_left3A_581 = vector.broadcast %shift_left3A_580 : i32 to vector<32x256xi32>
      %shift_left3A_582 = arith.shli %xor3A_578, %shift_left3A_581 : vector<32x256xi32>
      %shift_right_logical3A_583 = arith.constant 3 : i32
      %shift_right_logical3A_584 = vector.broadcast %shift_right_logical3A_583 : i32 to vector<32x256xi32>
      %shift_right_logical3A_585 = arith.shrui %xor3A_578, %shift_right_logical3A_584 : vector<32x256xi32>
      %or3A_586 = arith.ori %shift_left3A_582, %shift_right_logical3A_585 : vector<32x256xi32>
      %xor3A_587 = arith.xori %or3A_586, %add3A_579 : vector<32x256xi32>
      %add3A_588 = arith.addi %add3A_579, %xor3A_587 : vector<32x256xi32>
      %shift_left3A_589 = arith.constant 16 : i32
      %shift_left3A_590 = vector.broadcast %shift_left3A_589 : i32 to vector<32x256xi32>
      %shift_left3A_591 = arith.shli %xor3A_587, %shift_left3A_590 : vector<32x256xi32>
      %shift_right_logical3A_592 = arith.constant 16 : i32
      %shift_right_logical3A_593 = vector.broadcast %shift_right_logical3A_592 : i32 to vector<32x256xi32>
      %shift_right_logical3A_594 = arith.shrui %xor3A_587, %shift_right_logical3A_593 : vector<32x256xi32>
      %or3A_595 = arith.ori %shift_left3A_591, %shift_right_logical3A_594 : vector<32x256xi32>
      %xor3A_596 = arith.xori %or3A_595, %add3A_588 : vector<32x256xi32>
      %add3A_597 = arith.addi %add3A_588, %xor3A_596 : vector<32x256xi32>
      %shift_left3A_598 = arith.constant 24 : i32
      %shift_left3A_599 = vector.broadcast %shift_left3A_598 : i32 to vector<32x256xi32>
      %shift_left3A_600 = arith.shli %xor3A_596, %shift_left3A_599 : vector<32x256xi32>
      %shift_right_logical3A_601 = arith.constant 8 : i32
      %shift_right_logical3A_602 = vector.broadcast %shift_right_logical3A_601 : i32 to vector<32x256xi32>
      %shift_right_logical3A_603 = arith.shrui %xor3A_596, %shift_right_logical3A_602 : vector<32x256xi32>
      %or3A_604 = arith.ori %shift_left3A_600, %shift_right_logical3A_603 : vector<32x256xi32>
      %xor3A_605 = arith.xori %or3A_604, %add3A_597 : vector<32x256xi32>
      %add3A_606 = arith.constant 466689008 : i32
      %add3A_607 = vector.broadcast %add3A_606 : i32 to vector<32x256xi32>
      %add3A_608 = arith.addi %add3A_597, %add3A_607 : vector<32x256xi32>
      %add3A_609 = arith.constant 2 : i32
      %add3A_610 = vector.broadcast %add3A_609 : i32 to vector<32x256xi32>
      %add3A_611 = arith.addi %xor3A_605, %add3A_610 : vector<32x256xi32>
      %add3A_612 = arith.addi %add3A_608, %add3A_611 : vector<32x256xi32>
      %shift_left3A_613 = arith.constant 13 : i32
      %shift_left3A_614 = vector.broadcast %shift_left3A_613 : i32 to vector<32x256xi32>
      %shift_left3A_615 = arith.shli %add3A_611, %shift_left3A_614 : vector<32x256xi32>
      %shift_right_logical3A_616 = arith.constant 19 : i32
      %shift_right_logical3A_617 = vector.broadcast %shift_right_logical3A_616 : i32 to vector<32x256xi32>
      %shift_right_logical3A_618 = arith.shrui %add3A_611, %shift_right_logical3A_617 : vector<32x256xi32>
      %or3A_619 = arith.ori %shift_left3A_615, %shift_right_logical3A_618 : vector<32x256xi32>
      %xor3A_620 = arith.xori %or3A_619, %add3A_612 : vector<32x256xi32>
      %add3A_621 = arith.addi %add3A_612, %xor3A_620 : vector<32x256xi32>
      %shift_left3A_622 = arith.constant 15 : i32
      %shift_left3A_623 = vector.broadcast %shift_left3A_622 : i32 to vector<32x256xi32>
      %shift_left3A_624 = arith.shli %xor3A_620, %shift_left3A_623 : vector<32x256xi32>
      %shift_right_logical3A_625 = arith.constant 17 : i32
      %shift_right_logical3A_626 = vector.broadcast %shift_right_logical3A_625 : i32 to vector<32x256xi32>
      %shift_right_logical3A_627 = arith.shrui %xor3A_620, %shift_right_logical3A_626 : vector<32x256xi32>
      %or3A_628 = arith.ori %shift_left3A_624, %shift_right_logical3A_627 : vector<32x256xi32>
      %xor3A_629 = arith.xori %or3A_628, %add3A_621 : vector<32x256xi32>
      %add3A_630 = arith.addi %add3A_621, %xor3A_629 : vector<32x256xi32>
      %shift_left3A_631 = arith.constant 26 : i32
      %shift_left3A_632 = vector.broadcast %shift_left3A_631 : i32 to vector<32x256xi32>
      %shift_left3A_633 = arith.shli %xor3A_629, %shift_left3A_632 : vector<32x256xi32>
      %shift_right_logical3A_634 = arith.constant 6 : i32
      %shift_right_logical3A_635 = vector.broadcast %shift_right_logical3A_634 : i32 to vector<32x256xi32>
      %shift_right_logical3A_636 = arith.shrui %xor3A_629, %shift_right_logical3A_635 : vector<32x256xi32>
      %or3A_637 = arith.ori %shift_left3A_633, %shift_right_logical3A_636 : vector<32x256xi32>
      %xor3A_638 = arith.xori %or3A_637, %add3A_630 : vector<32x256xi32>
      %add3A_639 = arith.addi %add3A_630, %xor3A_638 : vector<32x256xi32>
      %shift_left3A_640 = arith.constant 6 : i32
      %shift_left3A_641 = vector.broadcast %shift_left3A_640 : i32 to vector<32x256xi32>
      %shift_left3A_642 = arith.shli %xor3A_638, %shift_left3A_641 : vector<32x256xi32>
      %shift_right_logical3A_643 = arith.constant 26 : i32
      %shift_right_logical3A_644 = vector.broadcast %shift_right_logical3A_643 : i32 to vector<32x256xi32>
      %shift_right_logical3A_645 = arith.shrui %xor3A_638, %shift_right_logical3A_644 : vector<32x256xi32>
      %or3A_646 = arith.ori %shift_left3A_642, %shift_right_logical3A_645 : vector<32x256xi32>
      %xor3A_647 = arith.xori %or3A_646, %add3A_639 : vector<32x256xi32>
      %add3A_648 = arith.constant 45 : i32
      %add3A_649 = vector.broadcast %add3A_648 : i32 to vector<32x256xi32>
      %add3A_650 = arith.addi %xor3A_647, %add3A_649 : vector<32x256xi32>
      %add3A_651 = arith.addi %add3A_639, %add3A_650 : vector<32x256xi32>
      %shift_left3A_652 = arith.constant 17 : i32
      %shift_left3A_653 = vector.broadcast %shift_left3A_652 : i32 to vector<32x256xi32>
      %shift_left3A_654 = arith.shli %add3A_650, %shift_left3A_653 : vector<32x256xi32>
      %shift_right_logical3A_655 = arith.constant 15 : i32
      %shift_right_logical3A_656 = vector.broadcast %shift_right_logical3A_655 : i32 to vector<32x256xi32>
      %shift_right_logical3A_657 = arith.shrui %add3A_650, %shift_right_logical3A_656 : vector<32x256xi32>
      %or3A_658 = arith.ori %shift_left3A_654, %shift_right_logical3A_657 : vector<32x256xi32>
      %xor3A_659 = arith.xori %or3A_658, %add3A_651 : vector<32x256xi32>
      %add3A_660 = arith.addi %add3A_651, %xor3A_659 : vector<32x256xi32>
      %shift_left3A_661 = arith.constant 29 : i32
      %shift_left3A_662 = vector.broadcast %shift_left3A_661 : i32 to vector<32x256xi32>
      %shift_left3A_663 = arith.shli %xor3A_659, %shift_left3A_662 : vector<32x256xi32>
      %shift_right_logical3A_664 = arith.constant 3 : i32
      %shift_right_logical3A_665 = vector.broadcast %shift_right_logical3A_664 : i32 to vector<32x256xi32>
      %shift_right_logical3A_666 = arith.shrui %xor3A_659, %shift_right_logical3A_665 : vector<32x256xi32>
      %or3A_667 = arith.ori %shift_left3A_663, %shift_right_logical3A_666 : vector<32x256xi32>
      %xor3A_668 = arith.xori %or3A_667, %add3A_660 : vector<32x256xi32>
      %add3A_669 = arith.addi %add3A_660, %xor3A_668 : vector<32x256xi32>
      %shift_left3A_670 = arith.constant 16 : i32
      %shift_left3A_671 = vector.broadcast %shift_left3A_670 : i32 to vector<32x256xi32>
      %shift_left3A_672 = arith.shli %xor3A_668, %shift_left3A_671 : vector<32x256xi32>
      %shift_right_logical3A_673 = arith.constant 16 : i32
      %shift_right_logical3A_674 = vector.broadcast %shift_right_logical3A_673 : i32 to vector<32x256xi32>
      %shift_right_logical3A_675 = arith.shrui %xor3A_668, %shift_right_logical3A_674 : vector<32x256xi32>
      %or3A_676 = arith.ori %shift_left3A_672, %shift_right_logical3A_675 : vector<32x256xi32>
      %xor3A_677 = arith.xori %or3A_676, %add3A_669 : vector<32x256xi32>
      %add3A_678 = arith.addi %add3A_669, %xor3A_677 : vector<32x256xi32>
      %shift_left3A_679 = arith.constant 24 : i32
      %shift_left3A_680 = vector.broadcast %shift_left3A_679 : i32 to vector<32x256xi32>
      %shift_left3A_681 = arith.shli %xor3A_677, %shift_left3A_680 : vector<32x256xi32>
      %shift_right_logical3A_682 = arith.constant 8 : i32
      %shift_right_logical3A_683 = vector.broadcast %shift_right_logical3A_682 : i32 to vector<32x256xi32>
      %shift_right_logical3A_684 = arith.shrui %xor3A_677, %shift_right_logical3A_683 : vector<32x256xi32>
      %or3A_685 = arith.ori %shift_left3A_681, %shift_right_logical3A_684 : vector<32x256xi32>
      %xor3A_686 = arith.xori %or3A_685, %add3A_678 : vector<32x256xi32>
      %add3A_687 = arith.constant 42 : i32
      %add3A_688 = vector.broadcast %add3A_687 : i32 to vector<32x256xi32>
      %add3A_689 = arith.addi %add3A_678, %add3A_688 : vector<32x256xi32>
      %add3A_690 = arith.constant 466689012 : i32
      %add3A_691 = vector.broadcast %add3A_690 : i32 to vector<32x256xi32>
      %add3A_692 = arith.addi %xor3A_686, %add3A_691 : vector<32x256xi32>
      %add3A_693 = arith.addi %add3A_689, %add3A_692 : vector<32x256xi32>
      %shift_left3A_694 = arith.constant 13 : i32
      %shift_left3A_695 = vector.broadcast %shift_left3A_694 : i32 to vector<32x256xi32>
      %shift_left3A_696 = arith.shli %add3A_692, %shift_left3A_695 : vector<32x256xi32>
      %shift_right_logical3A_697 = arith.constant 19 : i32
      %shift_right_logical3A_698 = vector.broadcast %shift_right_logical3A_697 : i32 to vector<32x256xi32>
      %shift_right_logical3A_699 = arith.shrui %add3A_692, %shift_right_logical3A_698 : vector<32x256xi32>
      %or3A_700 = arith.ori %shift_left3A_696, %shift_right_logical3A_699 : vector<32x256xi32>
      %xor3A_701 = arith.xori %or3A_700, %add3A_693 : vector<32x256xi32>
      %add3A_702 = arith.addi %add3A_693, %xor3A_701 : vector<32x256xi32>
      %shift_left3A_703 = arith.constant 15 : i32
      %shift_left3A_704 = vector.broadcast %shift_left3A_703 : i32 to vector<32x256xi32>
      %shift_left3A_705 = arith.shli %xor3A_701, %shift_left3A_704 : vector<32x256xi32>
      %shift_right_logical3A_706 = arith.constant 17 : i32
      %shift_right_logical3A_707 = vector.broadcast %shift_right_logical3A_706 : i32 to vector<32x256xi32>
      %shift_right_logical3A_708 = arith.shrui %xor3A_701, %shift_right_logical3A_707 : vector<32x256xi32>
      %or3A_709 = arith.ori %shift_left3A_705, %shift_right_logical3A_708 : vector<32x256xi32>
      %xor3A_710 = arith.xori %or3A_709, %add3A_702 : vector<32x256xi32>
      %add3A_711 = arith.addi %add3A_702, %xor3A_710 : vector<32x256xi32>
      %shift_left3A_712 = arith.constant 26 : i32
      %shift_left3A_713 = vector.broadcast %shift_left3A_712 : i32 to vector<32x256xi32>
      %shift_left3A_714 = arith.shli %xor3A_710, %shift_left3A_713 : vector<32x256xi32>
      %shift_right_logical3A_715 = arith.constant 6 : i32
      %shift_right_logical3A_716 = vector.broadcast %shift_right_logical3A_715 : i32 to vector<32x256xi32>
      %shift_right_logical3A_717 = arith.shrui %xor3A_710, %shift_right_logical3A_716 : vector<32x256xi32>
      %or3A_718 = arith.ori %shift_left3A_714, %shift_right_logical3A_717 : vector<32x256xi32>
      %xor3A_719 = arith.xori %or3A_718, %add3A_711 : vector<32x256xi32>
      %add3A_720 = arith.addi %add3A_711, %xor3A_719 : vector<32x256xi32>
      %shift_left3A_721 = arith.constant 6 : i32
      %shift_left3A_722 = vector.broadcast %shift_left3A_721 : i32 to vector<32x256xi32>
      %shift_left3A_723 = arith.shli %xor3A_719, %shift_left3A_722 : vector<32x256xi32>
      %shift_right_logical3A_724 = arith.constant 26 : i32
      %shift_right_logical3A_725 = vector.broadcast %shift_right_logical3A_724 : i32 to vector<32x256xi32>
      %shift_right_logical3A_726 = arith.shrui %xor3A_719, %shift_right_logical3A_725 : vector<32x256xi32>
      %or3A_727 = arith.ori %shift_left3A_723, %shift_right_logical3A_726 : vector<32x256xi32>
      %xor3A_728 = arith.xori %or3A_727, %add3A_720 : vector<32x256xi32>
      %add3A_729 = arith.constant 466689008 : i32
      %add3A_730 = vector.broadcast %add3A_729 : i32 to vector<32x256xi32>
      %add3A_731 = arith.addi %add3A_720, %add3A_730 : vector<32x256xi32>
      %add3A_732 = arith.constant 5 : i32
      %add3A_733 = vector.broadcast %add3A_732 : i32 to vector<32x256xi32>
      %add3A_734 = arith.addi %xor3A_728, %add3A_733 : vector<32x256xi32>
      %xor3A_735 = arith.xori %add3A_731, %add3A_734 : vector<32x256xi32>
      %shift_right_logical3A_736 = arith.constant 9 : i32
      %shift_right_logical3A_737 = vector.broadcast %shift_right_logical3A_736 : i32 to vector<32x256xi32>
      %shift_right_logical3A_738 = arith.shrui %xor3A_735, %shift_right_logical3A_737 : vector<32x256xi32>
      %or3A_739 = arith.constant 1065353216 : i32
      %or3A_740 = vector.broadcast %or3A_739 : i32 to vector<32x256xi32>
      %or3A_741 = arith.ori %shift_right_logical3A_738, %or3A_740 : vector<32x256xi32>
      %bitcast_convert_type3A_742 = tpu.bitcast %or3A_741 : vector<32x256xi32> -> vector<32x256xf32>
      %sub3A_743 = arith.constant 1.000000e+00 : f32
      %sub3A_744 = vector.broadcast %sub3A_743 : f32 to vector<32x256xf32>
      %sub3A_745 = arith.subf %bitcast_convert_type3A_742, %sub3A_744 : vector<32x256xf32>
      %log3A_746 = math.log %sub3A_745 : vector<32x256xf32>
      %log3A_747 = arith.constant 2.000000e+00 : f32
      %log3A_748 = math.log %log3A_747 : f32
      %div3A_749 = vector.broadcast %log3A_748 : f32 to vector<32x256xf32>
      %div3A_750 = arith.divf %log3A_746, %div3A_749 : vector<32x256xf32>
      %get3A_751 = arith.index_cast %add3A_516 : i32 to index
      %get3A_752 = arith.constant 0 : index
      %get3A_753 = vector.load %arg1[%get3A_751, %get3A_752] : memref<392x256xf32, #tpu.memory_space<vmem>>, vector<1x256xf32>
      %get3A_754 = vector.shape_cast %get3A_753 : vector<1x256xf32> to vector<256xf32>
      %broadcast_in_dim3A_755 = vector.shape_cast %get3A_754 : vector<256xf32> to vector<1x256xf32>
      %mul3A_756 = vector.broadcast %broadcast_in_dim3A_755 : vector<1x256xf32> to vector<32x256xf32>
      %mul3A_757 = arith.mulf %div3A_750, %mul3A_756 : vector<32x256xf32>
      %mul3A_758 = arith.constant 8 : i32
      %mul3A_759 = arith.muli %scan3A_29, %mul3A_758 : i32
      %add3A_760 = arith.constant 3 : i32
      %add3A_761 = arith.addi %mul3A_759, %add3A_760 : i32
      %mul3A_762 = arith.constant 256 : i32
      %mul3A_763 = arith.muli %add3A_761, %mul3A_762 : i32
      %add3A_764 = vector.broadcast %mul3A_763 : i32 to vector<32x256xi32>
      %add3A_765 = arith.addi %iota3A_9, %add3A_764 : vector<32x256xi32>
      %add3A_766 = arith.addi %shift_left3A_8, %add3A_765 : vector<32x256xi32>
      %lt3A_767 = arith.cmpi ult, %add3A_766, %shift_left3A_8 : vector<32x256xi32>
      %convert_element_type3A_768 = arith.extui %lt3A_767 : vector<32x256xi1> to vector<32x256xi32>
      %add3A_769 = arith.addi %shift_right_logical3A_6, %convert_element_type3A_768 : vector<32x256xi32>
      %add3A_770 = arith.constant 42 : i32
      %add3A_771 = vector.broadcast %add3A_770 : i32 to vector<32x256xi32>
      %add3A_772 = arith.addi %add3A_766, %add3A_771 : vector<32x256xi32>
      %add3A_773 = arith.addi %add3A_769, %add3A_772 : vector<32x256xi32>
      %shift_left3A_774 = arith.constant 13 : i32
      %shift_left3A_775 = vector.broadcast %shift_left3A_774 : i32 to vector<32x256xi32>
      %shift_left3A_776 = arith.shli %add3A_772, %shift_left3A_775 : vector<32x256xi32>
      %shift_right_logical3A_777 = arith.constant 19 : i32
      %shift_right_logical3A_778 = vector.broadcast %shift_right_logical3A_777 : i32 to vector<32x256xi32>
      %shift_right_logical3A_779 = arith.shrui %add3A_772, %shift_right_logical3A_778 : vector<32x256xi32>
      %or3A_780 = arith.ori %shift_left3A_776, %shift_right_logical3A_779 : vector<32x256xi32>
      %xor3A_781 = arith.xori %or3A_780, %add3A_773 : vector<32x256xi32>
      %add3A_782 = arith.addi %add3A_773, %xor3A_781 : vector<32x256xi32>
      %shift_left3A_783 = arith.constant 15 : i32
      %shift_left3A_784 = vector.broadcast %shift_left3A_783 : i32 to vector<32x256xi32>
      %shift_left3A_785 = arith.shli %xor3A_781, %shift_left3A_784 : vector<32x256xi32>
      %shift_right_logical3A_786 = arith.constant 17 : i32
      %shift_right_logical3A_787 = vector.broadcast %shift_right_logical3A_786 : i32 to vector<32x256xi32>
      %shift_right_logical3A_788 = arith.shrui %xor3A_781, %shift_right_logical3A_787 : vector<32x256xi32>
      %or3A_789 = arith.ori %shift_left3A_785, %shift_right_logical3A_788 : vector<32x256xi32>
      %xor3A_790 = arith.xori %or3A_789, %add3A_782 : vector<32x256xi32>
      %add3A_791 = arith.addi %add3A_782, %xor3A_790 : vector<32x256xi32>
      %shift_left3A_792 = arith.constant 26 : i32
      %shift_left3A_793 = vector.broadcast %shift_left3A_792 : i32 to vector<32x256xi32>
      %shift_left3A_794 = arith.shli %xor3A_790, %shift_left3A_793 : vector<32x256xi32>
      %shift_right_logical3A_795 = arith.constant 6 : i32
      %shift_right_logical3A_796 = vector.broadcast %shift_right_logical3A_795 : i32 to vector<32x256xi32>
      %shift_right_logical3A_797 = arith.shrui %xor3A_790, %shift_right_logical3A_796 : vector<32x256xi32>
      %or3A_798 = arith.ori %shift_left3A_794, %shift_right_logical3A_797 : vector<32x256xi32>
      %xor3A_799 = arith.xori %or3A_798, %add3A_791 : vector<32x256xi32>
      %add3A_800 = arith.addi %add3A_791, %xor3A_799 : vector<32x256xi32>
      %shift_left3A_801 = arith.constant 6 : i32
      %shift_left3A_802 = vector.broadcast %shift_left3A_801 : i32 to vector<32x256xi32>
      %shift_left3A_803 = arith.shli %xor3A_799, %shift_left3A_802 : vector<32x256xi32>
      %shift_right_logical3A_804 = arith.constant 26 : i32
      %shift_right_logical3A_805 = vector.broadcast %shift_right_logical3A_804 : i32 to vector<32x256xi32>
      %shift_right_logical3A_806 = arith.shrui %xor3A_799, %shift_right_logical3A_805 : vector<32x256xi32>
      %or3A_807 = arith.ori %shift_left3A_803, %shift_right_logical3A_806 : vector<32x256xi32>
      %xor3A_808 = arith.xori %or3A_807, %add3A_800 : vector<32x256xi32>
      %add3A_809 = arith.constant 42 : i32
      %add3A_810 = vector.broadcast %add3A_809 : i32 to vector<32x256xi32>
      %add3A_811 = arith.addi %add3A_800, %add3A_810 : vector<32x256xi32>
      %add3A_812 = arith.constant 466689009 : i32
      %add3A_813 = vector.broadcast %add3A_812 : i32 to vector<32x256xi32>
      %add3A_814 = arith.addi %xor3A_808, %add3A_813 : vector<32x256xi32>
      %add3A_815 = arith.addi %add3A_811, %add3A_814 : vector<32x256xi32>
      %shift_left3A_816 = arith.constant 17 : i32
      %shift_left3A_817 = vector.broadcast %shift_left3A_816 : i32 to vector<32x256xi32>
      %shift_left3A_818 = arith.shli %add3A_814, %shift_left3A_817 : vector<32x256xi32>
      %shift_right_logical3A_819 = arith.constant 15 : i32
      %shift_right_logical3A_820 = vector.broadcast %shift_right_logical3A_819 : i32 to vector<32x256xi32>
      %shift_right_logical3A_821 = arith.shrui %add3A_814, %shift_right_logical3A_820 : vector<32x256xi32>
      %or3A_822 = arith.ori %shift_left3A_818, %shift_right_logical3A_821 : vector<32x256xi32>
      %xor3A_823 = arith.xori %or3A_822, %add3A_815 : vector<32x256xi32>
      %add3A_824 = arith.addi %add3A_815, %xor3A_823 : vector<32x256xi32>
      %shift_left3A_825 = arith.constant 29 : i32
      %shift_left3A_826 = vector.broadcast %shift_left3A_825 : i32 to vector<32x256xi32>
      %shift_left3A_827 = arith.shli %xor3A_823, %shift_left3A_826 : vector<32x256xi32>
      %shift_right_logical3A_828 = arith.constant 3 : i32
      %shift_right_logical3A_829 = vector.broadcast %shift_right_logical3A_828 : i32 to vector<32x256xi32>
      %shift_right_logical3A_830 = arith.shrui %xor3A_823, %shift_right_logical3A_829 : vector<32x256xi32>
      %or3A_831 = arith.ori %shift_left3A_827, %shift_right_logical3A_830 : vector<32x256xi32>
      %xor3A_832 = arith.xori %or3A_831, %add3A_824 : vector<32x256xi32>
      %add3A_833 = arith.addi %add3A_824, %xor3A_832 : vector<32x256xi32>
      %shift_left3A_834 = arith.constant 16 : i32
      %shift_left3A_835 = vector.broadcast %shift_left3A_834 : i32 to vector<32x256xi32>
      %shift_left3A_836 = arith.shli %xor3A_832, %shift_left3A_835 : vector<32x256xi32>
      %shift_right_logical3A_837 = arith.constant 16 : i32
      %shift_right_logical3A_838 = vector.broadcast %shift_right_logical3A_837 : i32 to vector<32x256xi32>
      %shift_right_logical3A_839 = arith.shrui %xor3A_832, %shift_right_logical3A_838 : vector<32x256xi32>
      %or3A_840 = arith.ori %shift_left3A_836, %shift_right_logical3A_839 : vector<32x256xi32>
      %xor3A_841 = arith.xori %or3A_840, %add3A_833 : vector<32x256xi32>
      %add3A_842 = arith.addi %add3A_833, %xor3A_841 : vector<32x256xi32>
      %shift_left3A_843 = arith.constant 24 : i32
      %shift_left3A_844 = vector.broadcast %shift_left3A_843 : i32 to vector<32x256xi32>
      %shift_left3A_845 = arith.shli %xor3A_841, %shift_left3A_844 : vector<32x256xi32>
      %shift_right_logical3A_846 = arith.constant 8 : i32
      %shift_right_logical3A_847 = vector.broadcast %shift_right_logical3A_846 : i32 to vector<32x256xi32>
      %shift_right_logical3A_848 = arith.shrui %xor3A_841, %shift_right_logical3A_847 : vector<32x256xi32>
      %or3A_849 = arith.ori %shift_left3A_845, %shift_right_logical3A_848 : vector<32x256xi32>
      %xor3A_850 = arith.xori %or3A_849, %add3A_842 : vector<32x256xi32>
      %add3A_851 = arith.constant 466689008 : i32
      %add3A_852 = vector.broadcast %add3A_851 : i32 to vector<32x256xi32>
      %add3A_853 = arith.addi %add3A_842, %add3A_852 : vector<32x256xi32>
      %add3A_854 = arith.constant 2 : i32
      %add3A_855 = vector.broadcast %add3A_854 : i32 to vector<32x256xi32>
      %add3A_856 = arith.addi %xor3A_850, %add3A_855 : vector<32x256xi32>
      %add3A_857 = arith.addi %add3A_853, %add3A_856 : vector<32x256xi32>
      %shift_left3A_858 = arith.constant 13 : i32
      %shift_left3A_859 = vector.broadcast %shift_left3A_858 : i32 to vector<32x256xi32>
      %shift_left3A_860 = arith.shli %add3A_856, %shift_left3A_859 : vector<32x256xi32>
      %shift_right_logical3A_861 = arith.constant 19 : i32
      %shift_right_logical3A_862 = vector.broadcast %shift_right_logical3A_861 : i32 to vector<32x256xi32>
      %shift_right_logical3A_863 = arith.shrui %add3A_856, %shift_right_logical3A_862 : vector<32x256xi32>
      %or3A_864 = arith.ori %shift_left3A_860, %shift_right_logical3A_863 : vector<32x256xi32>
      %xor3A_865 = arith.xori %or3A_864, %add3A_857 : vector<32x256xi32>
      %add3A_866 = arith.addi %add3A_857, %xor3A_865 : vector<32x256xi32>
      %shift_left3A_867 = arith.constant 15 : i32
      %shift_left3A_868 = vector.broadcast %shift_left3A_867 : i32 to vector<32x256xi32>
      %shift_left3A_869 = arith.shli %xor3A_865, %shift_left3A_868 : vector<32x256xi32>
      %shift_right_logical3A_870 = arith.constant 17 : i32
      %shift_right_logical3A_871 = vector.broadcast %shift_right_logical3A_870 : i32 to vector<32x256xi32>
      %shift_right_logical3A_872 = arith.shrui %xor3A_865, %shift_right_logical3A_871 : vector<32x256xi32>
      %or3A_873 = arith.ori %shift_left3A_869, %shift_right_logical3A_872 : vector<32x256xi32>
      %xor3A_874 = arith.xori %or3A_873, %add3A_866 : vector<32x256xi32>
      %add3A_875 = arith.addi %add3A_866, %xor3A_874 : vector<32x256xi32>
      %shift_left3A_876 = arith.constant 26 : i32
      %shift_left3A_877 = vector.broadcast %shift_left3A_876 : i32 to vector<32x256xi32>
      %shift_left3A_878 = arith.shli %xor3A_874, %shift_left3A_877 : vector<32x256xi32>
      %shift_right_logical3A_879 = arith.constant 6 : i32
      %shift_right_logical3A_880 = vector.broadcast %shift_right_logical3A_879 : i32 to vector<32x256xi32>
      %shift_right_logical3A_881 = arith.shrui %xor3A_874, %shift_right_logical3A_880 : vector<32x256xi32>
      %or3A_882 = arith.ori %shift_left3A_878, %shift_right_logical3A_881 : vector<32x256xi32>
      %xor3A_883 = arith.xori %or3A_882, %add3A_875 : vector<32x256xi32>
      %add3A_884 = arith.addi %add3A_875, %xor3A_883 : vector<32x256xi32>
      %shift_left3A_885 = arith.constant 6 : i32
      %shift_left3A_886 = vector.broadcast %shift_left3A_885 : i32 to vector<32x256xi32>
      %shift_left3A_887 = arith.shli %xor3A_883, %shift_left3A_886 : vector<32x256xi32>
      %shift_right_logical3A_888 = arith.constant 26 : i32
      %shift_right_logical3A_889 = vector.broadcast %shift_right_logical3A_888 : i32 to vector<32x256xi32>
      %shift_right_logical3A_890 = arith.shrui %xor3A_883, %shift_right_logical3A_889 : vector<32x256xi32>
      %or3A_891 = arith.ori %shift_left3A_887, %shift_right_logical3A_890 : vector<32x256xi32>
      %xor3A_892 = arith.xori %or3A_891, %add3A_884 : vector<32x256xi32>
      %add3A_893 = arith.constant 45 : i32
      %add3A_894 = vector.broadcast %add3A_893 : i32 to vector<32x256xi32>
      %add3A_895 = arith.addi %xor3A_892, %add3A_894 : vector<32x256xi32>
      %add3A_896 = arith.addi %add3A_884, %add3A_895 : vector<32x256xi32>
      %shift_left3A_897 = arith.constant 17 : i32
      %shift_left3A_898 = vector.broadcast %shift_left3A_897 : i32 to vector<32x256xi32>
      %shift_left3A_899 = arith.shli %add3A_895, %shift_left3A_898 : vector<32x256xi32>
      %shift_right_logical3A_900 = arith.constant 15 : i32
      %shift_right_logical3A_901 = vector.broadcast %shift_right_logical3A_900 : i32 to vector<32x256xi32>
      %shift_right_logical3A_902 = arith.shrui %add3A_895, %shift_right_logical3A_901 : vector<32x256xi32>
      %or3A_903 = arith.ori %shift_left3A_899, %shift_right_logical3A_902 : vector<32x256xi32>
      %xor3A_904 = arith.xori %or3A_903, %add3A_896 : vector<32x256xi32>
      %add3A_905 = arith.addi %add3A_896, %xor3A_904 : vector<32x256xi32>
      %shift_left3A_906 = arith.constant 29 : i32
      %shift_left3A_907 = vector.broadcast %shift_left3A_906 : i32 to vector<32x256xi32>
      %shift_left3A_908 = arith.shli %xor3A_904, %shift_left3A_907 : vector<32x256xi32>
      %shift_right_logical3A_909 = arith.constant 3 : i32
      %shift_right_logical3A_910 = vector.broadcast %shift_right_logical3A_909 : i32 to vector<32x256xi32>
      %shift_right_logical3A_911 = arith.shrui %xor3A_904, %shift_right_logical3A_910 : vector<32x256xi32>
      %or3A_912 = arith.ori %shift_left3A_908, %shift_right_logical3A_911 : vector<32x256xi32>
      %xor3A_913 = arith.xori %or3A_912, %add3A_905 : vector<32x256xi32>
      %add3A_914 = arith.addi %add3A_905, %xor3A_913 : vector<32x256xi32>
      %shift_left3A_915 = arith.constant 16 : i32
      %shift_left3A_916 = vector.broadcast %shift_left3A_915 : i32 to vector<32x256xi32>
      %shift_left3A_917 = arith.shli %xor3A_913, %shift_left3A_916 : vector<32x256xi32>
      %shift_right_logical3A_918 = arith.constant 16 : i32
      %shift_right_logical3A_919 = vector.broadcast %shift_right_logical3A_918 : i32 to vector<32x256xi32>
      %shift_right_logical3A_920 = arith.shrui %xor3A_913, %shift_right_logical3A_919 : vector<32x256xi32>
      %or3A_921 = arith.ori %shift_left3A_917, %shift_right_logical3A_920 : vector<32x256xi32>
      %xor3A_922 = arith.xori %or3A_921, %add3A_914 : vector<32x256xi32>
      %add3A_923 = arith.addi %add3A_914, %xor3A_922 : vector<32x256xi32>
      %shift_left3A_924 = arith.constant 24 : i32
      %shift_left3A_925 = vector.broadcast %shift_left3A_924 : i32 to vector<32x256xi32>
      %shift_left3A_926 = arith.shli %xor3A_922, %shift_left3A_925 : vector<32x256xi32>
      %shift_right_logical3A_927 = arith.constant 8 : i32
      %shift_right_logical3A_928 = vector.broadcast %shift_right_logical3A_927 : i32 to vector<32x256xi32>
      %shift_right_logical3A_929 = arith.shrui %xor3A_922, %shift_right_logical3A_928 : vector<32x256xi32>
      %or3A_930 = arith.ori %shift_left3A_926, %shift_right_logical3A_929 : vector<32x256xi32>
      %xor3A_931 = arith.xori %or3A_930, %add3A_923 : vector<32x256xi32>
      %add3A_932 = arith.constant 42 : i32
      %add3A_933 = vector.broadcast %add3A_932 : i32 to vector<32x256xi32>
      %add3A_934 = arith.addi %add3A_923, %add3A_933 : vector<32x256xi32>
      %add3A_935 = arith.constant 466689012 : i32
      %add3A_936 = vector.broadcast %add3A_935 : i32 to vector<32x256xi32>
      %add3A_937 = arith.addi %xor3A_931, %add3A_936 : vector<32x256xi32>
      %add3A_938 = arith.addi %add3A_934, %add3A_937 : vector<32x256xi32>
      %shift_left3A_939 = arith.constant 13 : i32
      %shift_left3A_940 = vector.broadcast %shift_left3A_939 : i32 to vector<32x256xi32>
      %shift_left3A_941 = arith.shli %add3A_937, %shift_left3A_940 : vector<32x256xi32>
      %shift_right_logical3A_942 = arith.constant 19 : i32
      %shift_right_logical3A_943 = vector.broadcast %shift_right_logical3A_942 : i32 to vector<32x256xi32>
      %shift_right_logical3A_944 = arith.shrui %add3A_937, %shift_right_logical3A_943 : vector<32x256xi32>
      %or3A_945 = arith.ori %shift_left3A_941, %shift_right_logical3A_944 : vector<32x256xi32>
      %xor3A_946 = arith.xori %or3A_945, %add3A_938 : vector<32x256xi32>
      %add3A_947 = arith.addi %add3A_938, %xor3A_946 : vector<32x256xi32>
      %shift_left3A_948 = arith.constant 15 : i32
      %shift_left3A_949 = vector.broadcast %shift_left3A_948 : i32 to vector<32x256xi32>
      %shift_left3A_950 = arith.shli %xor3A_946, %shift_left3A_949 : vector<32x256xi32>
      %shift_right_logical3A_951 = arith.constant 17 : i32
      %shift_right_logical3A_952 = vector.broadcast %shift_right_logical3A_951 : i32 to vector<32x256xi32>
      %shift_right_logical3A_953 = arith.shrui %xor3A_946, %shift_right_logical3A_952 : vector<32x256xi32>
      %or3A_954 = arith.ori %shift_left3A_950, %shift_right_logical3A_953 : vector<32x256xi32>
      %xor3A_955 = arith.xori %or3A_954, %add3A_947 : vector<32x256xi32>
      %add3A_956 = arith.addi %add3A_947, %xor3A_955 : vector<32x256xi32>
      %shift_left3A_957 = arith.constant 26 : i32
      %shift_left3A_958 = vector.broadcast %shift_left3A_957 : i32 to vector<32x256xi32>
      %shift_left3A_959 = arith.shli %xor3A_955, %shift_left3A_958 : vector<32x256xi32>
      %shift_right_logical3A_960 = arith.constant 6 : i32
      %shift_right_logical3A_961 = vector.broadcast %shift_right_logical3A_960 : i32 to vector<32x256xi32>
      %shift_right_logical3A_962 = arith.shrui %xor3A_955, %shift_right_logical3A_961 : vector<32x256xi32>
      %or3A_963 = arith.ori %shift_left3A_959, %shift_right_logical3A_962 : vector<32x256xi32>
      %xor3A_964 = arith.xori %or3A_963, %add3A_956 : vector<32x256xi32>
      %add3A_965 = arith.addi %add3A_956, %xor3A_964 : vector<32x256xi32>
      %shift_left3A_966 = arith.constant 6 : i32
      %shift_left3A_967 = vector.broadcast %shift_left3A_966 : i32 to vector<32x256xi32>
      %shift_left3A_968 = arith.shli %xor3A_964, %shift_left3A_967 : vector<32x256xi32>
      %shift_right_logical3A_969 = arith.constant 26 : i32
      %shift_right_logical3A_970 = vector.broadcast %shift_right_logical3A_969 : i32 to vector<32x256xi32>
      %shift_right_logical3A_971 = arith.shrui %xor3A_964, %shift_right_logical3A_970 : vector<32x256xi32>
      %or3A_972 = arith.ori %shift_left3A_968, %shift_right_logical3A_971 : vector<32x256xi32>
      %xor3A_973 = arith.xori %or3A_972, %add3A_965 : vector<32x256xi32>
      %add3A_974 = arith.constant 466689008 : i32
      %add3A_975 = vector.broadcast %add3A_974 : i32 to vector<32x256xi32>
      %add3A_976 = arith.addi %add3A_965, %add3A_975 : vector<32x256xi32>
      %add3A_977 = arith.constant 5 : i32
      %add3A_978 = vector.broadcast %add3A_977 : i32 to vector<32x256xi32>
      %add3A_979 = arith.addi %xor3A_973, %add3A_978 : vector<32x256xi32>
      %xor3A_980 = arith.xori %add3A_976, %add3A_979 : vector<32x256xi32>
      %shift_right_logical3A_981 = arith.constant 9 : i32
      %shift_right_logical3A_982 = vector.broadcast %shift_right_logical3A_981 : i32 to vector<32x256xi32>
      %shift_right_logical3A_983 = arith.shrui %xor3A_980, %shift_right_logical3A_982 : vector<32x256xi32>
      %or3A_984 = arith.constant 1065353216 : i32
      %or3A_985 = vector.broadcast %or3A_984 : i32 to vector<32x256xi32>
      %or3A_986 = arith.ori %shift_right_logical3A_983, %or3A_985 : vector<32x256xi32>
      %bitcast_convert_type3A_987 = tpu.bitcast %or3A_986 : vector<32x256xi32> -> vector<32x256xf32>
      %sub3A_988 = arith.constant 1.000000e+00 : f32
      %sub3A_989 = vector.broadcast %sub3A_988 : f32 to vector<32x256xf32>
      %sub3A_990 = arith.subf %bitcast_convert_type3A_987, %sub3A_989 : vector<32x256xf32>
      %log3A_991 = math.log %sub3A_990 : vector<32x256xf32>
      %log3A_992 = arith.constant 2.000000e+00 : f32
      %log3A_993 = math.log %log3A_992 : f32
      %div3A_994 = vector.broadcast %log3A_993 : f32 to vector<32x256xf32>
      %div3A_995 = arith.divf %log3A_991, %div3A_994 : vector<32x256xf32>
      %get3A_996 = arith.index_cast %add3A_761 : i32 to index
      %get3A_997 = arith.constant 0 : index
      %get3A_998 = vector.load %arg1[%get3A_996, %get3A_997] : memref<392x256xf32, #tpu.memory_space<vmem>>, vector<1x256xf32>
      %get3A_999 = vector.shape_cast %get3A_998 : vector<1x256xf32> to vector<256xf32>
      %broadcast_in_dim3A_1000 = vector.shape_cast %get3A_999 : vector<256xf32> to vector<1x256xf32>
      %mul3A_1001 = vector.broadcast %broadcast_in_dim3A_1000 : vector<1x256xf32> to vector<32x256xf32>
      %mul3A_1002 = arith.mulf %div3A_995, %mul3A_1001 : vector<32x256xf32>
      %mul3A_1003 = arith.constant 8 : i32
      %mul3A_1004 = arith.muli %scan3A_29, %mul3A_1003 : i32
      %add3A_1005 = arith.constant 4 : i32
      %add3A_1006 = arith.addi %mul3A_1004, %add3A_1005 : i32
      %mul3A_1007 = arith.constant 256 : i32
      %mul3A_1008 = arith.muli %add3A_1006, %mul3A_1007 : i32
      %add3A_1009 = vector.broadcast %mul3A_1008 : i32 to vector<32x256xi32>
      %add3A_1010 = arith.addi %iota3A_9, %add3A_1009 : vector<32x256xi32>
      %add3A_1011 = arith.addi %shift_left3A_8, %add3A_1010 : vector<32x256xi32>
      %lt3A_1012 = arith.cmpi ult, %add3A_1011, %shift_left3A_8 : vector<32x256xi32>
      %convert_element_type3A_1013 = arith.extui %lt3A_1012 : vector<32x256xi1> to vector<32x256xi32>
      %add3A_1014 = arith.addi %shift_right_logical3A_6, %convert_element_type3A_1013 : vector<32x256xi32>
      %add3A_1015 = arith.constant 42 : i32
      %add3A_1016 = vector.broadcast %add3A_1015 : i32 to vector<32x256xi32>
      %add3A_1017 = arith.addi %add3A_1011, %add3A_1016 : vector<32x256xi32>
      %add3A_1018 = arith.addi %add3A_1014, %add3A_1017 : vector<32x256xi32>
      %shift_left3A_1019 = arith.constant 13 : i32
      %shift_left3A_1020 = vector.broadcast %shift_left3A_1019 : i32 to vector<32x256xi32>
      %shift_left3A_1021 = arith.shli %add3A_1017, %shift_left3A_1020 : vector<32x256xi32>
      %shift_right_logical3A_1022 = arith.constant 19 : i32
      %shift_right_logical3A_1023 = vector.broadcast %shift_right_logical3A_1022 : i32 to vector<32x256xi32>
      %shift_right_logical3A_1024 = arith.shrui %add3A_1017, %shift_right_logical3A_1023 : vector<32x256xi32>
      %or3A_1025 = arith.ori %shift_left3A_1021, %shift_right_logical3A_1024 : vector<32x256xi32>
      %xor3A_1026 = arith.xori %or3A_1025, %add3A_1018 : vector<32x256xi32>
      %add3A_1027 = arith.addi %add3A_1018, %xor3A_1026 : vector<32x256xi32>
      %shift_left3A_1028 = arith.constant 15 : i32
      %shift_left3A_1029 = vector.broadcast %shift_left3A_1028 : i32 to vector<32x256xi32>
      %shift_left3A_1030 = arith.shli %xor3A_1026, %shift_left3A_1029 : vector<32x256xi32>
      %shift_right_logical3A_1031 = arith.constant 17 : i32
      %shift_right_logical3A_1032 = vector.broadcast %shift_right_logical3A_1031 : i32 to vector<32x256xi32>
      %shift_right_logical3A_1033 = arith.shrui %xor3A_1026, %shift_right_logical3A_1032 : vector<32x256xi32>
      %or3A_1034 = arith.ori %shift_left3A_1030, %shift_right_logical3A_1033 : vector<32x256xi32>
      %xor3A_1035 = arith.xori %or3A_1034, %add3A_1027 : vector<32x256xi32>
      %add3A_1036 = arith.addi %add3A_1027, %xor3A_1035 : vector<32x256xi32>
      %shift_left3A_1037 = arith.constant 26 : i32
      %shift_left3A_1038 = vector.broadcast %shift_left3A_1037 : i32 to vector<32x256xi32>
      %shift_left3A_1039 = arith.shli %xor3A_1035, %shift_left3A_1038 : vector<32x256xi32>
      %shift_right_logical3A_1040 = arith.constant 6 : i32
      %shift_right_logical3A_1041 = vector.broadcast %shift_right_logical3A_1040 : i32 to vector<32x256xi32>
      %shift_right_logical3A_1042 = arith.shrui %xor3A_1035, %shift_right_logical3A_1041 : vector<32x256xi32>
      %or3A_1043 = arith.ori %shift_left3A_1039, %shift_right_logical3A_1042 : vector<32x256xi32>
      %xor3A_1044 = arith.xori %or3A_1043, %add3A_1036 : vector<32x256xi32>
      %add3A_1045 = arith.addi %add3A_1036, %xor3A_1044 : vector<32x256xi32>
      %shift_left3A_1046 = arith.constant 6 : i32
      %shift_left3A_1047 = vector.broadcast %shift_left3A_1046 : i32 to vector<32x256xi32>
      %shift_left3A_1048 = arith.shli %xor3A_1044, %shift_left3A_1047 : vector<32x256xi32>
      %shift_right_logical3A_1049 = arith.constant 26 : i32
      %shift_right_logical3A_1050 = vector.broadcast %shift_right_logical3A_1049 : i32 to vector<32x256xi32>
      %shift_right_logical3A_1051 = arith.shrui %xor3A_1044, %shift_right_logical3A_1050 : vector<32x256xi32>
      %or3A_1052 = arith.ori %shift_left3A_1048, %shift_right_logical3A_1051 : vector<32x256xi32>
      %xor3A_1053 = arith.xori %or3A_1052, %add3A_1045 : vector<32x256xi32>
      %add3A_1054 = arith.constant 42 : i32
      %add3A_1055 = vector.broadcast %add3A_1054 : i32 to vector<32x256xi32>
      %add3A_1056 = arith.addi %add3A_1045, %add3A_1055 : vector<32x256xi32>
      %add3A_1057 = arith.constant 466689009 : i32
      %add3A_1058 = vector.broadcast %add3A_1057 : i32 to vector<32x256xi32>
      %add3A_1059 = arith.addi %xor3A_1053, %add3A_1058 : vector<32x256xi32>
      %add3A_1060 = arith.addi %add3A_1056, %add3A_1059 : vector<32x256xi32>
      %shift_left3A_1061 = arith.constant 17 : i32
      %shift_left3A_1062 = vector.broadcast %shift_left3A_1061 : i32 to vector<32x256xi32>
      %shift_left3A_1063 = arith.shli %add3A_1059, %shift_left3A_1062 : vector<32x256xi32>
      %shift_right_logical3A_1064 = arith.constant 15 : i32
      %shift_right_logical3A_1065 = vector.broadcast %shift_right_logical3A_1064 : i32 to vector<32x256xi32>
      %shift_right_logical3A_1066 = arith.shrui %add3A_1059, %shift_right_logical3A_1065 : vector<32x256xi32>
      %or3A_1067 = arith.ori %shift_left3A_1063, %shift_right_logical3A_1066 : vector<32x256xi32>
      %xor3A_1068 = arith.xori %or3A_1067, %add3A_1060 : vector<32x256xi32>
      %add3A_1069 = arith.addi %add3A_1060, %xor3A_1068 : vector<32x256xi32>
      %shift_left3A_1070 = arith.constant 29 : i32
      %shift_left3A_1071 = vector.broadcast %shift_left3A_1070 : i32 to vector<32x256xi32>
      %shift_left3A_1072 = arith.shli %xor3A_1068, %shift_left3A_1071 : vector<32x256xi32>
      %shift_right_logical3A_1073 = arith.constant 3 : i32
      %shift_right_logical3A_1074 = vector.broadcast %shift_right_logical3A_1073 : i32 to vector<32x256xi32>
      %shift_right_logical3A_1075 = arith.shrui %xor3A_1068, %shift_right_logical3A_1074 : vector<32x256xi32>
      %or3A_1076 = arith.ori %shift_left3A_1072, %shift_right_logical3A_1075 : vector<32x256xi32>
      %xor3A_1077 = arith.xori %or3A_1076, %add3A_1069 : vector<32x256xi32>
      %add3A_1078 = arith.addi %add3A_1069, %xor3A_1077 : vector<32x256xi32>
      %shift_left3A_1079 = arith.constant 16 : i32
      %shift_left3A_1080 = vector.broadcast %shift_left3A_1079 : i32 to vector<32x256xi32>
      %shift_left3A_1081 = arith.shli %xor3A_1077, %shift_left3A_1080 : vector<32x256xi32>
      %shift_right_logical3A_1082 = arith.constant 16 : i32
      %shift_right_logical3A_1083 = vector.broadcast %shift_right_logical3A_1082 : i32 to vector<32x256xi32>
      %shift_right_logical3A_1084 = arith.shrui %xor3A_1077, %shift_right_logical3A_1083 : vector<32x256xi32>
      %or3A_1085 = arith.ori %shift_left3A_1081, %shift_right_logical3A_1084 : vector<32x256xi32>
      %xor3A_1086 = arith.xori %or3A_1085, %add3A_1078 : vector<32x256xi32>
      %add3A_1087 = arith.addi %add3A_1078, %xor3A_1086 : vector<32x256xi32>
      %shift_left3A_1088 = arith.constant 24 : i32
      %shift_left3A_1089 = vector.broadcast %shift_left3A_1088 : i32 to vector<32x256xi32>
      %shift_left3A_1090 = arith.shli %xor3A_1086, %shift_left3A_1089 : vector<32x256xi32>
      %shift_right_logical3A_1091 = arith.constant 8 : i32
      %shift_right_logical3A_1092 = vector.broadcast %shift_right_logical3A_1091 : i32 to vector<32x256xi32>
      %shift_right_logical3A_1093 = arith.shrui %xor3A_1086, %shift_right_logical3A_1092 : vector<32x256xi32>
      %or3A_1094 = arith.ori %shift_left3A_1090, %shift_right_logical3A_1093 : vector<32x256xi32>
      %xor3A_1095 = arith.xori %or3A_1094, %add3A_1087 : vector<32x256xi32>
      %add3A_1096 = arith.constant 466689008 : i32
      %add3A_1097 = vector.broadcast %add3A_1096 : i32 to vector<32x256xi32>
      %add3A_1098 = arith.addi %add3A_1087, %add3A_1097 : vector<32x256xi32>
      %add3A_1099 = arith.constant 2 : i32
      %add3A_1100 = vector.broadcast %add3A_1099 : i32 to vector<32x256xi32>
      %add3A_1101 = arith.addi %xor3A_1095, %add3A_1100 : vector<32x256xi32>
      %add3A_1102 = arith.addi %add3A_1098, %add3A_1101 : vector<32x256xi32>
      %shift_left3A_1103 = arith.constant 13 : i32
      %shift_left3A_1104 = vector.broadcast %shift_left3A_1103 : i32 to vector<32x256xi32>
      %shift_left3A_1105 = arith.shli %add3A_1101, %shift_left3A_1104 : vector<32x256xi32>
      %shift_right_logical3A_1106 = arith.constant 19 : i32
      %shift_right_logical3A_1107 = vector.broadcast %shift_right_logical3A_1106 : i32 to vector<32x256xi32>
      %shift_right_logical3A_1108 = arith.shrui %add3A_1101, %shift_right_logical3A_1107 : vector<32x256xi32>
      %or3A_1109 = arith.ori %shift_left3A_1105, %shift_right_logical3A_1108 : vector<32x256xi32>
      %xor3A_1110 = arith.xori %or3A_1109, %add3A_1102 : vector<32x256xi32>
      %add3A_1111 = arith.addi %add3A_1102, %xor3A_1110 : vector<32x256xi32>
      %shift_left3A_1112 = arith.constant 15 : i32
      %shift_left3A_1113 = vector.broadcast %shift_left3A_1112 : i32 to vector<32x256xi32>
      %shift_left3A_1114 = arith.shli %xor3A_1110, %shift_left3A_1113 : vector<32x256xi32>
      %shift_right_logical3A_1115 = arith.constant 17 : i32
      %shift_right_logical3A_1116 = vector.broadcast %shift_right_logical3A_1115 : i32 to vector<32x256xi32>
      %shift_right_logical3A_1117 = arith.shrui %xor3A_1110, %shift_right_logical3A_1116 : vector<32x256xi32>
      %or3A_1118 = arith.ori %shift_left3A_1114, %shift_right_logical3A_1117 : vector<32x256xi32>
      %xor3A_1119 = arith.xori %or3A_1118, %add3A_1111 : vector<32x256xi32>
      %add3A_1120 = arith.addi %add3A_1111, %xor3A_1119 : vector<32x256xi32>
      %shift_left3A_1121 = arith.constant 26 : i32
      %shift_left3A_1122 = vector.broadcast %shift_left3A_1121 : i32 to vector<32x256xi32>
      %shift_left3A_1123 = arith.shli %xor3A_1119, %shift_left3A_1122 : vector<32x256xi32>
      %shift_right_logical3A_1124 = arith.constant 6 : i32
      %shift_right_logical3A_1125 = vector.broadcast %shift_right_logical3A_1124 : i32 to vector<32x256xi32>
      %shift_right_logical3A_1126 = arith.shrui %xor3A_1119, %shift_right_logical3A_1125 : vector<32x256xi32>
      %or3A_1127 = arith.ori %shift_left3A_1123, %shift_right_logical3A_1126 : vector<32x256xi32>
      %xor3A_1128 = arith.xori %or3A_1127, %add3A_1120 : vector<32x256xi32>
      %add3A_1129 = arith.addi %add3A_1120, %xor3A_1128 : vector<32x256xi32>
      %shift_left3A_1130 = arith.constant 6 : i32
      %shift_left3A_1131 = vector.broadcast %shift_left3A_1130 : i32 to vector<32x256xi32>
      %shift_left3A_1132 = arith.shli %xor3A_1128, %shift_left3A_1131 : vector<32x256xi32>
      %shift_right_logical3A_1133 = arith.constant 26 : i32
      %shift_right_logical3A_1134 = vector.broadcast %shift_right_logical3A_1133 : i32 to vector<32x256xi32>
      %shift_right_logical3A_1135 = arith.shrui %xor3A_1128, %shift_right_logical3A_1134 : vector<32x256xi32>
      %or3A_1136 = arith.ori %shift_left3A_1132, %shift_right_logical3A_1135 : vector<32x256xi32>
      %xor3A_1137 = arith.xori %or3A_1136, %add3A_1129 : vector<32x256xi32>
      %add3A_1138 = arith.constant 45 : i32
      %add3A_1139 = vector.broadcast %add3A_1138 : i32 to vector<32x256xi32>
      %add3A_1140 = arith.addi %xor3A_1137, %add3A_1139 : vector<32x256xi32>
      %add3A_1141 = arith.addi %add3A_1129, %add3A_1140 : vector<32x256xi32>
      %shift_left3A_1142 = arith.constant 17 : i32
      %shift_left3A_1143 = vector.broadcast %shift_left3A_1142 : i32 to vector<32x256xi32>
      %shift_left3A_1144 = arith.shli %add3A_1140, %shift_left3A_1143 : vector<32x256xi32>
      %shift_right_logical3A_1145 = arith.constant 15 : i32
      %shift_right_logical3A_1146 = vector.broadcast %shift_right_logical3A_1145 : i32 to vector<32x256xi32>
      %shift_right_logical3A_1147 = arith.shrui %add3A_1140, %shift_right_logical3A_1146 : vector<32x256xi32>
      %or3A_1148 = arith.ori %shift_left3A_1144, %shift_right_logical3A_1147 : vector<32x256xi32>
      %xor3A_1149 = arith.xori %or3A_1148, %add3A_1141 : vector<32x256xi32>
      %add3A_1150 = arith.addi %add3A_1141, %xor3A_1149 : vector<32x256xi32>
      %shift_left3A_1151 = arith.constant 29 : i32
      %shift_left3A_1152 = vector.broadcast %shift_left3A_1151 : i32 to vector<32x256xi32>
      %shift_left3A_1153 = arith.shli %xor3A_1149, %shift_left3A_1152 : vector<32x256xi32>
      %shift_right_logical3A_1154 = arith.constant 3 : i32
      %shift_right_logical3A_1155 = vector.broadcast %shift_right_logical3A_1154 : i32 to vector<32x256xi32>
      %shift_right_logical3A_1156 = arith.shrui %xor3A_1149, %shift_right_logical3A_1155 : vector<32x256xi32>
      %or3A_1157 = arith.ori %shift_left3A_1153, %shift_right_logical3A_1156 : vector<32x256xi32>
      %xor3A_1158 = arith.xori %or3A_1157, %add3A_1150 : vector<32x256xi32>
      %add3A_1159 = arith.addi %add3A_1150, %xor3A_1158 : vector<32x256xi32>
      %shift_left3A_1160 = arith.constant 16 : i32
      %shift_left3A_1161 = vector.broadcast %shift_left3A_1160 : i32 to vector<32x256xi32>
      %shift_left3A_1162 = arith.shli %xor3A_1158, %shift_left3A_1161 : vector<32x256xi32>
      %shift_right_logical3A_1163 = arith.constant 16 : i32
      %shift_right_logical3A_1164 = vector.broadcast %shift_right_logical3A_1163 : i32 to vector<32x256xi32>
      %shift_right_logical3A_1165 = arith.shrui %xor3A_1158, %shift_right_logical3A_1164 : vector<32x256xi32>
      %or3A_1166 = arith.ori %shift_left3A_1162, %shift_right_logical3A_1165 : vector<32x256xi32>
      %xor3A_1167 = arith.xori %or3A_1166, %add3A_1159 : vector<32x256xi32>
      %add3A_1168 = arith.addi %add3A_1159, %xor3A_1167 : vector<32x256xi32>
      %shift_left3A_1169 = arith.constant 24 : i32
      %shift_left3A_1170 = vector.broadcast %shift_left3A_1169 : i32 to vector<32x256xi32>
      %shift_left3A_1171 = arith.shli %xor3A_1167, %shift_left3A_1170 : vector<32x256xi32>
      %shift_right_logical3A_1172 = arith.constant 8 : i32
      %shift_right_logical3A_1173 = vector.broadcast %shift_right_logical3A_1172 : i32 to vector<32x256xi32>
      %shift_right_logical3A_1174 = arith.shrui %xor3A_1167, %shift_right_logical3A_1173 : vector<32x256xi32>
      %or3A_1175 = arith.ori %shift_left3A_1171, %shift_right_logical3A_1174 : vector<32x256xi32>
      %xor3A_1176 = arith.xori %or3A_1175, %add3A_1168 : vector<32x256xi32>
      %add3A_1177 = arith.constant 42 : i32
      %add3A_1178 = vector.broadcast %add3A_1177 : i32 to vector<32x256xi32>
      %add3A_1179 = arith.addi %add3A_1168, %add3A_1178 : vector<32x256xi32>
      %add3A_1180 = arith.constant 466689012 : i32
      %add3A_1181 = vector.broadcast %add3A_1180 : i32 to vector<32x256xi32>
      %add3A_1182 = arith.addi %xor3A_1176, %add3A_1181 : vector<32x256xi32>
      %add3A_1183 = arith.addi %add3A_1179, %add3A_1182 : vector<32x256xi32>
      %shift_left3A_1184 = arith.constant 13 : i32
      %shift_left3A_1185 = vector.broadcast %shift_left3A_1184 : i32 to vector<32x256xi32>
      %shift_left3A_1186 = arith.shli %add3A_1182, %shift_left3A_1185 : vector<32x256xi32>
      %shift_right_logical3A_1187 = arith.constant 19 : i32
      %shift_right_logical3A_1188 = vector.broadcast %shift_right_logical3A_1187 : i32 to vector<32x256xi32>
      %shift_right_logical3A_1189 = arith.shrui %add3A_1182, %shift_right_logical3A_1188 : vector<32x256xi32>
      %or3A_1190 = arith.ori %shift_left3A_1186, %shift_right_logical3A_1189 : vector<32x256xi32>
      %xor3A_1191 = arith.xori %or3A_1190, %add3A_1183 : vector<32x256xi32>
      %add3A_1192 = arith.addi %add3A_1183, %xor3A_1191 : vector<32x256xi32>
      %shift_left3A_1193 = arith.constant 15 : i32
      %shift_left3A_1194 = vector.broadcast %shift_left3A_1193 : i32 to vector<32x256xi32>
      %shift_left3A_1195 = arith.shli %xor3A_1191, %shift_left3A_1194 : vector<32x256xi32>
      %shift_right_logical3A_1196 = arith.constant 17 : i32
      %shift_right_logical3A_1197 = vector.broadcast %shift_right_logical3A_1196 : i32 to vector<32x256xi32>
      %shift_right_logical3A_1198 = arith.shrui %xor3A_1191, %shift_right_logical3A_1197 : vector<32x256xi32>
      %or3A_1199 = arith.ori %shift_left3A_1195, %shift_right_logical3A_1198 : vector<32x256xi32>
      %xor3A_1200 = arith.xori %or3A_1199, %add3A_1192 : vector<32x256xi32>
      %add3A_1201 = arith.addi %add3A_1192, %xor3A_1200 : vector<32x256xi32>
      %shift_left3A_1202 = arith.constant 26 : i32
      %shift_left3A_1203 = vector.broadcast %shift_left3A_1202 : i32 to vector<32x256xi32>
      %shift_left3A_1204 = arith.shli %xor3A_1200, %shift_left3A_1203 : vector<32x256xi32>
      %shift_right_logical3A_1205 = arith.constant 6 : i32
      %shift_right_logical3A_1206 = vector.broadcast %shift_right_logical3A_1205 : i32 to vector<32x256xi32>
      %shift_right_logical3A_1207 = arith.shrui %xor3A_1200, %shift_right_logical3A_1206 : vector<32x256xi32>
      %or3A_1208 = arith.ori %shift_left3A_1204, %shift_right_logical3A_1207 : vector<32x256xi32>
      %xor3A_1209 = arith.xori %or3A_1208, %add3A_1201 : vector<32x256xi32>
      %add3A_1210 = arith.addi %add3A_1201, %xor3A_1209 : vector<32x256xi32>
      %shift_left3A_1211 = arith.constant 6 : i32
      %shift_left3A_1212 = vector.broadcast %shift_left3A_1211 : i32 to vector<32x256xi32>
      %shift_left3A_1213 = arith.shli %xor3A_1209, %shift_left3A_1212 : vector<32x256xi32>
      %shift_right_logical3A_1214 = arith.constant 26 : i32
      %shift_right_logical3A_1215 = vector.broadcast %shift_right_logical3A_1214 : i32 to vector<32x256xi32>
      %shift_right_logical3A_1216 = arith.shrui %xor3A_1209, %shift_right_logical3A_1215 : vector<32x256xi32>
      %or3A_1217 = arith.ori %shift_left3A_1213, %shift_right_logical3A_1216 : vector<32x256xi32>
      %xor3A_1218 = arith.xori %or3A_1217, %add3A_1210 : vector<32x256xi32>
      %add3A_1219 = arith.constant 466689008 : i32
      %add3A_1220 = vector.broadcast %add3A_1219 : i32 to vector<32x256xi32>
      %add3A_1221 = arith.addi %add3A_1210, %add3A_1220 : vector<32x256xi32>
      %add3A_1222 = arith.constant 5 : i32
      %add3A_1223 = vector.broadcast %add3A_1222 : i32 to vector<32x256xi32>
      %add3A_1224 = arith.addi %xor3A_1218, %add3A_1223 : vector<32x256xi32>
      %xor3A_1225 = arith.xori %add3A_1221, %add3A_1224 : vector<32x256xi32>
      %shift_right_logical3A_1226 = arith.constant 9 : i32
      %shift_right_logical3A_1227 = vector.broadcast %shift_right_logical3A_1226 : i32 to vector<32x256xi32>
      %shift_right_logical3A_1228 = arith.shrui %xor3A_1225, %shift_right_logical3A_1227 : vector<32x256xi32>
      %or3A_1229 = arith.constant 1065353216 : i32
      %or3A_1230 = vector.broadcast %or3A_1229 : i32 to vector<32x256xi32>
      %or3A_1231 = arith.ori %shift_right_logical3A_1228, %or3A_1230 : vector<32x256xi32>
      %bitcast_convert_type3A_1232 = tpu.bitcast %or3A_1231 : vector<32x256xi32> -> vector<32x256xf32>
      %sub3A_1233 = arith.constant 1.000000e+00 : f32
      %sub3A_1234 = vector.broadcast %sub3A_1233 : f32 to vector<32x256xf32>
      %sub3A_1235 = arith.subf %bitcast_convert_type3A_1232, %sub3A_1234 : vector<32x256xf32>
      %log3A_1236 = math.log %sub3A_1235 : vector<32x256xf32>
      %log3A_1237 = arith.constant 2.000000e+00 : f32
      %log3A_1238 = math.log %log3A_1237 : f32
      %div3A_1239 = vector.broadcast %log3A_1238 : f32 to vector<32x256xf32>
      %div3A_1240 = arith.divf %log3A_1236, %div3A_1239 : vector<32x256xf32>
      %get3A_1241 = arith.index_cast %add3A_1006 : i32 to index
      %get3A_1242 = arith.constant 0 : index
      %get3A_1243 = vector.load %arg1[%get3A_1241, %get3A_1242] : memref<392x256xf32, #tpu.memory_space<vmem>>, vector<1x256xf32>
      %get3A_1244 = vector.shape_cast %get3A_1243 : vector<1x256xf32> to vector<256xf32>
      %broadcast_in_dim3A_1245 = vector.shape_cast %get3A_1244 : vector<256xf32> to vector<1x256xf32>
      %mul3A_1246 = vector.broadcast %broadcast_in_dim3A_1245 : vector<1x256xf32> to vector<32x256xf32>
      %mul3A_1247 = arith.mulf %div3A_1240, %mul3A_1246 : vector<32x256xf32>
      %mul3A_1248 = arith.constant 8 : i32
      %mul3A_1249 = arith.muli %scan3A_29, %mul3A_1248 : i32
      %add3A_1250 = arith.constant 5 : i32
      %add3A_1251 = arith.addi %mul3A_1249, %add3A_1250 : i32
      %mul3A_1252 = arith.constant 256 : i32
      %mul3A_1253 = arith.muli %add3A_1251, %mul3A_1252 : i32
      %add3A_1254 = vector.broadcast %mul3A_1253 : i32 to vector<32x256xi32>
      %add3A_1255 = arith.addi %iota3A_9, %add3A_1254 : vector<32x256xi32>
      %add3A_1256 = arith.addi %shift_left3A_8, %add3A_1255 : vector<32x256xi32>
      %lt3A_1257 = arith.cmpi ult, %add3A_1256, %shift_left3A_8 : vector<32x256xi32>
      %convert_element_type3A_1258 = arith.extui %lt3A_1257 : vector<32x256xi1> to vector<32x256xi32>
      %add3A_1259 = arith.addi %shift_right_logical3A_6, %convert_element_type3A_1258 : vector<32x256xi32>
      %add3A_1260 = arith.constant 42 : i32
      %add3A_1261 = vector.broadcast %add3A_1260 : i32 to vector<32x256xi32>
      %add3A_1262 = arith.addi %add3A_1256, %add3A_1261 : vector<32x256xi32>
      %add3A_1263 = arith.addi %add3A_1259, %add3A_1262 : vector<32x256xi32>
      %shift_left3A_1264 = arith.constant 13 : i32
      %shift_left3A_1265 = vector.broadcast %shift_left3A_1264 : i32 to vector<32x256xi32>
      %shift_left3A_1266 = arith.shli %add3A_1262, %shift_left3A_1265 : vector<32x256xi32>
      %shift_right_logical3A_1267 = arith.constant 19 : i32
      %shift_right_logical3A_1268 = vector.broadcast %shift_right_logical3A_1267 : i32 to vector<32x256xi32>
      %shift_right_logical3A_1269 = arith.shrui %add3A_1262, %shift_right_logical3A_1268 : vector<32x256xi32>
      %or3A_1270 = arith.ori %shift_left3A_1266, %shift_right_logical3A_1269 : vector<32x256xi32>
      %xor3A_1271 = arith.xori %or3A_1270, %add3A_1263 : vector<32x256xi32>
      %add3A_1272 = arith.addi %add3A_1263, %xor3A_1271 : vector<32x256xi32>
      %shift_left3A_1273 = arith.constant 15 : i32
      %shift_left3A_1274 = vector.broadcast %shift_left3A_1273 : i32 to vector<32x256xi32>
      %shift_left3A_1275 = arith.shli %xor3A_1271, %shift_left3A_1274 : vector<32x256xi32>
      %shift_right_logical3A_1276 = arith.constant 17 : i32
      %shift_right_logical3A_1277 = vector.broadcast %shift_right_logical3A_1276 : i32 to vector<32x256xi32>
      %shift_right_logical3A_1278 = arith.shrui %xor3A_1271, %shift_right_logical3A_1277 : vector<32x256xi32>
      %or3A_1279 = arith.ori %shift_left3A_1275, %shift_right_logical3A_1278 : vector<32x256xi32>
      %xor3A_1280 = arith.xori %or3A_1279, %add3A_1272 : vector<32x256xi32>
      %add3A_1281 = arith.addi %add3A_1272, %xor3A_1280 : vector<32x256xi32>
      %shift_left3A_1282 = arith.constant 26 : i32
      %shift_left3A_1283 = vector.broadcast %shift_left3A_1282 : i32 to vector<32x256xi32>
      %shift_left3A_1284 = arith.shli %xor3A_1280, %shift_left3A_1283 : vector<32x256xi32>
      %shift_right_logical3A_1285 = arith.constant 6 : i32
      %shift_right_logical3A_1286 = vector.broadcast %shift_right_logical3A_1285 : i32 to vector<32x256xi32>
      %shift_right_logical3A_1287 = arith.shrui %xor3A_1280, %shift_right_logical3A_1286 : vector<32x256xi32>
      %or3A_1288 = arith.ori %shift_left3A_1284, %shift_right_logical3A_1287 : vector<32x256xi32>
      %xor3A_1289 = arith.xori %or3A_1288, %add3A_1281 : vector<32x256xi32>
      %add3A_1290 = arith.addi %add3A_1281, %xor3A_1289 : vector<32x256xi32>
      %shift_left3A_1291 = arith.constant 6 : i32
      %shift_left3A_1292 = vector.broadcast %shift_left3A_1291 : i32 to vector<32x256xi32>
      %shift_left3A_1293 = arith.shli %xor3A_1289, %shift_left3A_1292 : vector<32x256xi32>
      %shift_right_logical3A_1294 = arith.constant 26 : i32
      %shift_right_logical3A_1295 = vector.broadcast %shift_right_logical3A_1294 : i32 to vector<32x256xi32>
      %shift_right_logical3A_1296 = arith.shrui %xor3A_1289, %shift_right_logical3A_1295 : vector<32x256xi32>
      %or3A_1297 = arith.ori %shift_left3A_1293, %shift_right_logical3A_1296 : vector<32x256xi32>
      %xor3A_1298 = arith.xori %or3A_1297, %add3A_1290 : vector<32x256xi32>
      %add3A_1299 = arith.constant 42 : i32
      %add3A_1300 = vector.broadcast %add3A_1299 : i32 to vector<32x256xi32>
      %add3A_1301 = arith.addi %add3A_1290, %add3A_1300 : vector<32x256xi32>
      %add3A_1302 = arith.constant 466689009 : i32
      %add3A_1303 = vector.broadcast %add3A_1302 : i32 to vector<32x256xi32>
      %add3A_1304 = arith.addi %xor3A_1298, %add3A_1303 : vector<32x256xi32>
      %add3A_1305 = arith.addi %add3A_1301, %add3A_1304 : vector<32x256xi32>
      %shift_left3A_1306 = arith.constant 17 : i32
      %shift_left3A_1307 = vector.broadcast %shift_left3A_1306 : i32 to vector<32x256xi32>
      %shift_left3A_1308 = arith.shli %add3A_1304, %shift_left3A_1307 : vector<32x256xi32>
      %shift_right_logical3A_1309 = arith.constant 15 : i32
      %shift_right_logical3A_1310 = vector.broadcast %shift_right_logical3A_1309 : i32 to vector<32x256xi32>
      %shift_right_logical3A_1311 = arith.shrui %add3A_1304, %shift_right_logical3A_1310 : vector<32x256xi32>
      %or3A_1312 = arith.ori %shift_left3A_1308, %shift_right_logical3A_1311 : vector<32x256xi32>
      %xor3A_1313 = arith.xori %or3A_1312, %add3A_1305 : vector<32x256xi32>
      %add3A_1314 = arith.addi %add3A_1305, %xor3A_1313 : vector<32x256xi32>
      %shift_left3A_1315 = arith.constant 29 : i32
      %shift_left3A_1316 = vector.broadcast %shift_left3A_1315 : i32 to vector<32x256xi32>
      %shift_left3A_1317 = arith.shli %xor3A_1313, %shift_left3A_1316 : vector<32x256xi32>
      %shift_right_logical3A_1318 = arith.constant 3 : i32
      %shift_right_logical3A_1319 = vector.broadcast %shift_right_logical3A_1318 : i32 to vector<32x256xi32>
      %shift_right_logical3A_1320 = arith.shrui %xor3A_1313, %shift_right_logical3A_1319 : vector<32x256xi32>
      %or3A_1321 = arith.ori %shift_left3A_1317, %shift_right_logical3A_1320 : vector<32x256xi32>
      %xor3A_1322 = arith.xori %or3A_1321, %add3A_1314 : vector<32x256xi32>
      %add3A_1323 = arith.addi %add3A_1314, %xor3A_1322 : vector<32x256xi32>
      %shift_left3A_1324 = arith.constant 16 : i32
      %shift_left3A_1325 = vector.broadcast %shift_left3A_1324 : i32 to vector<32x256xi32>
      %shift_left3A_1326 = arith.shli %xor3A_1322, %shift_left3A_1325 : vector<32x256xi32>
      %shift_right_logical3A_1327 = arith.constant 16 : i32
      %shift_right_logical3A_1328 = vector.broadcast %shift_right_logical3A_1327 : i32 to vector<32x256xi32>
      %shift_right_logical3A_1329 = arith.shrui %xor3A_1322, %shift_right_logical3A_1328 : vector<32x256xi32>
      %or3A_1330 = arith.ori %shift_left3A_1326, %shift_right_logical3A_1329 : vector<32x256xi32>
      %xor3A_1331 = arith.xori %or3A_1330, %add3A_1323 : vector<32x256xi32>
      %add3A_1332 = arith.addi %add3A_1323, %xor3A_1331 : vector<32x256xi32>
      %shift_left3A_1333 = arith.constant 24 : i32
      %shift_left3A_1334 = vector.broadcast %shift_left3A_1333 : i32 to vector<32x256xi32>
      %shift_left3A_1335 = arith.shli %xor3A_1331, %shift_left3A_1334 : vector<32x256xi32>
      %shift_right_logical3A_1336 = arith.constant 8 : i32
      %shift_right_logical3A_1337 = vector.broadcast %shift_right_logical3A_1336 : i32 to vector<32x256xi32>
      %shift_right_logical3A_1338 = arith.shrui %xor3A_1331, %shift_right_logical3A_1337 : vector<32x256xi32>
      %or3A_1339 = arith.ori %shift_left3A_1335, %shift_right_logical3A_1338 : vector<32x256xi32>
      %xor3A_1340 = arith.xori %or3A_1339, %add3A_1332 : vector<32x256xi32>
      %add3A_1341 = arith.constant 466689008 : i32
      %add3A_1342 = vector.broadcast %add3A_1341 : i32 to vector<32x256xi32>
      %add3A_1343 = arith.addi %add3A_1332, %add3A_1342 : vector<32x256xi32>
      %add3A_1344 = arith.constant 2 : i32
      %add3A_1345 = vector.broadcast %add3A_1344 : i32 to vector<32x256xi32>
      %add3A_1346 = arith.addi %xor3A_1340, %add3A_1345 : vector<32x256xi32>
      %add3A_1347 = arith.addi %add3A_1343, %add3A_1346 : vector<32x256xi32>
      %shift_left3A_1348 = arith.constant 13 : i32
      %shift_left3A_1349 = vector.broadcast %shift_left3A_1348 : i32 to vector<32x256xi32>
      %shift_left3A_1350 = arith.shli %add3A_1346, %shift_left3A_1349 : vector<32x256xi32>
      %shift_right_logical3A_1351 = arith.constant 19 : i32
      %shift_right_logical3A_1352 = vector.broadcast %shift_right_logical3A_1351 : i32 to vector<32x256xi32>
      %shift_right_logical3A_1353 = arith.shrui %add3A_1346, %shift_right_logical3A_1352 : vector<32x256xi32>
      %or3A_1354 = arith.ori %shift_left3A_1350, %shift_right_logical3A_1353 : vector<32x256xi32>
      %xor3A_1355 = arith.xori %or3A_1354, %add3A_1347 : vector<32x256xi32>
      %add3A_1356 = arith.addi %add3A_1347, %xor3A_1355 : vector<32x256xi32>
      %shift_left3A_1357 = arith.constant 15 : i32
      %shift_left3A_1358 = vector.broadcast %shift_left3A_1357 : i32 to vector<32x256xi32>
      %shift_left3A_1359 = arith.shli %xor3A_1355, %shift_left3A_1358 : vector<32x256xi32>
      %shift_right_logical3A_1360 = arith.constant 17 : i32
      %shift_right_logical3A_1361 = vector.broadcast %shift_right_logical3A_1360 : i32 to vector<32x256xi32>
      %shift_right_logical3A_1362 = arith.shrui %xor3A_1355, %shift_right_logical3A_1361 : vector<32x256xi32>
      %or3A_1363 = arith.ori %shift_left3A_1359, %shift_right_logical3A_1362 : vector<32x256xi32>
      %xor3A_1364 = arith.xori %or3A_1363, %add3A_1356 : vector<32x256xi32>
      %add3A_1365 = arith.addi %add3A_1356, %xor3A_1364 : vector<32x256xi32>
      %shift_left3A_1366 = arith.constant 26 : i32
      %shift_left3A_1367 = vector.broadcast %shift_left3A_1366 : i32 to vector<32x256xi32>
      %shift_left3A_1368 = arith.shli %xor3A_1364, %shift_left3A_1367 : vector<32x256xi32>
      %shift_right_logical3A_1369 = arith.constant 6 : i32
      %shift_right_logical3A_1370 = vector.broadcast %shift_right_logical3A_1369 : i32 to vector<32x256xi32>
      %shift_right_logical3A_1371 = arith.shrui %xor3A_1364, %shift_right_logical3A_1370 : vector<32x256xi32>
      %or3A_1372 = arith.ori %shift_left3A_1368, %shift_right_logical3A_1371 : vector<32x256xi32>
      %xor3A_1373 = arith.xori %or3A_1372, %add3A_1365 : vector<32x256xi32>
      %add3A_1374 = arith.addi %add3A_1365, %xor3A_1373 : vector<32x256xi32>
      %shift_left3A_1375 = arith.constant 6 : i32
      %shift_left3A_1376 = vector.broadcast %shift_left3A_1375 : i32 to vector<32x256xi32>
      %shift_left3A_1377 = arith.shli %xor3A_1373, %shift_left3A_1376 : vector<32x256xi32>
      %shift_right_logical3A_1378 = arith.constant 26 : i32
      %shift_right_logical3A_1379 = vector.broadcast %shift_right_logical3A_1378 : i32 to vector<32x256xi32>
      %shift_right_logical3A_1380 = arith.shrui %xor3A_1373, %shift_right_logical3A_1379 : vector<32x256xi32>
      %or3A_1381 = arith.ori %shift_left3A_1377, %shift_right_logical3A_1380 : vector<32x256xi32>
      %xor3A_1382 = arith.xori %or3A_1381, %add3A_1374 : vector<32x256xi32>
      %add3A_1383 = arith.constant 45 : i32
      %add3A_1384 = vector.broadcast %add3A_1383 : i32 to vector<32x256xi32>
      %add3A_1385 = arith.addi %xor3A_1382, %add3A_1384 : vector<32x256xi32>
      %add3A_1386 = arith.addi %add3A_1374, %add3A_1385 : vector<32x256xi32>
      %shift_left3A_1387 = arith.constant 17 : i32
      %shift_left3A_1388 = vector.broadcast %shift_left3A_1387 : i32 to vector<32x256xi32>
      %shift_left3A_1389 = arith.shli %add3A_1385, %shift_left3A_1388 : vector<32x256xi32>
      %shift_right_logical3A_1390 = arith.constant 15 : i32
      %shift_right_logical3A_1391 = vector.broadcast %shift_right_logical3A_1390 : i32 to vector<32x256xi32>
      %shift_right_logical3A_1392 = arith.shrui %add3A_1385, %shift_right_logical3A_1391 : vector<32x256xi32>
      %or3A_1393 = arith.ori %shift_left3A_1389, %shift_right_logical3A_1392 : vector<32x256xi32>
      %xor3A_1394 = arith.xori %or3A_1393, %add3A_1386 : vector<32x256xi32>
      %add3A_1395 = arith.addi %add3A_1386, %xor3A_1394 : vector<32x256xi32>
      %shift_left3A_1396 = arith.constant 29 : i32
      %shift_left3A_1397 = vector.broadcast %shift_left3A_1396 : i32 to vector<32x256xi32>
      %shift_left3A_1398 = arith.shli %xor3A_1394, %shift_left3A_1397 : vector<32x256xi32>
      %shift_right_logical3A_1399 = arith.constant 3 : i32
      %shift_right_logical3A_1400 = vector.broadcast %shift_right_logical3A_1399 : i32 to vector<32x256xi32>
      %shift_right_logical3A_1401 = arith.shrui %xor3A_1394, %shift_right_logical3A_1400 : vector<32x256xi32>
      %or3A_1402 = arith.ori %shift_left3A_1398, %shift_right_logical3A_1401 : vector<32x256xi32>
      %xor3A_1403 = arith.xori %or3A_1402, %add3A_1395 : vector<32x256xi32>
      %add3A_1404 = arith.addi %add3A_1395, %xor3A_1403 : vector<32x256xi32>
      %shift_left3A_1405 = arith.constant 16 : i32
      %shift_left3A_1406 = vector.broadcast %shift_left3A_1405 : i32 to vector<32x256xi32>
      %shift_left3A_1407 = arith.shli %xor3A_1403, %shift_left3A_1406 : vector<32x256xi32>
      %shift_right_logical3A_1408 = arith.constant 16 : i32
      %shift_right_logical3A_1409 = vector.broadcast %shift_right_logical3A_1408 : i32 to vector<32x256xi32>
      %shift_right_logical3A_1410 = arith.shrui %xor3A_1403, %shift_right_logical3A_1409 : vector<32x256xi32>
      %or3A_1411 = arith.ori %shift_left3A_1407, %shift_right_logical3A_1410 : vector<32x256xi32>
      %xor3A_1412 = arith.xori %or3A_1411, %add3A_1404 : vector<32x256xi32>
      %add3A_1413 = arith.addi %add3A_1404, %xor3A_1412 : vector<32x256xi32>
      %shift_left3A_1414 = arith.constant 24 : i32
      %shift_left3A_1415 = vector.broadcast %shift_left3A_1414 : i32 to vector<32x256xi32>
      %shift_left3A_1416 = arith.shli %xor3A_1412, %shift_left3A_1415 : vector<32x256xi32>
      %shift_right_logical3A_1417 = arith.constant 8 : i32
      %shift_right_logical3A_1418 = vector.broadcast %shift_right_logical3A_1417 : i32 to vector<32x256xi32>
      %shift_right_logical3A_1419 = arith.shrui %xor3A_1412, %shift_right_logical3A_1418 : vector<32x256xi32>
      %or3A_1420 = arith.ori %shift_left3A_1416, %shift_right_logical3A_1419 : vector<32x256xi32>
      %xor3A_1421 = arith.xori %or3A_1420, %add3A_1413 : vector<32x256xi32>
      %add3A_1422 = arith.constant 42 : i32
      %add3A_1423 = vector.broadcast %add3A_1422 : i32 to vector<32x256xi32>
      %add3A_1424 = arith.addi %add3A_1413, %add3A_1423 : vector<32x256xi32>
      %add3A_1425 = arith.constant 466689012 : i32
      %add3A_1426 = vector.broadcast %add3A_1425 : i32 to vector<32x256xi32>
      %add3A_1427 = arith.addi %xor3A_1421, %add3A_1426 : vector<32x256xi32>
      %add3A_1428 = arith.addi %add3A_1424, %add3A_1427 : vector<32x256xi32>
      %shift_left3A_1429 = arith.constant 13 : i32
      %shift_left3A_1430 = vector.broadcast %shift_left3A_1429 : i32 to vector<32x256xi32>
      %shift_left3A_1431 = arith.shli %add3A_1427, %shift_left3A_1430 : vector<32x256xi32>
      %shift_right_logical3A_1432 = arith.constant 19 : i32
      %shift_right_logical3A_1433 = vector.broadcast %shift_right_logical3A_1432 : i32 to vector<32x256xi32>
      %shift_right_logical3A_1434 = arith.shrui %add3A_1427, %shift_right_logical3A_1433 : vector<32x256xi32>
      %or3A_1435 = arith.ori %shift_left3A_1431, %shift_right_logical3A_1434 : vector<32x256xi32>
      %xor3A_1436 = arith.xori %or3A_1435, %add3A_1428 : vector<32x256xi32>
      %add3A_1437 = arith.addi %add3A_1428, %xor3A_1436 : vector<32x256xi32>
      %shift_left3A_1438 = arith.constant 15 : i32
      %shift_left3A_1439 = vector.broadcast %shift_left3A_1438 : i32 to vector<32x256xi32>
      %shift_left3A_1440 = arith.shli %xor3A_1436, %shift_left3A_1439 : vector<32x256xi32>
      %shift_right_logical3A_1441 = arith.constant 17 : i32
      %shift_right_logical3A_1442 = vector.broadcast %shift_right_logical3A_1441 : i32 to vector<32x256xi32>
      %shift_right_logical3A_1443 = arith.shrui %xor3A_1436, %shift_right_logical3A_1442 : vector<32x256xi32>
      %or3A_1444 = arith.ori %shift_left3A_1440, %shift_right_logical3A_1443 : vector<32x256xi32>
      %xor3A_1445 = arith.xori %or3A_1444, %add3A_1437 : vector<32x256xi32>
      %add3A_1446 = arith.addi %add3A_1437, %xor3A_1445 : vector<32x256xi32>
      %shift_left3A_1447 = arith.constant 26 : i32
      %shift_left3A_1448 = vector.broadcast %shift_left3A_1447 : i32 to vector<32x256xi32>
      %shift_left3A_1449 = arith.shli %xor3A_1445, %shift_left3A_1448 : vector<32x256xi32>
      %shift_right_logical3A_1450 = arith.constant 6 : i32
      %shift_right_logical3A_1451 = vector.broadcast %shift_right_logical3A_1450 : i32 to vector<32x256xi32>
      %shift_right_logical3A_1452 = arith.shrui %xor3A_1445, %shift_right_logical3A_1451 : vector<32x256xi32>
      %or3A_1453 = arith.ori %shift_left3A_1449, %shift_right_logical3A_1452 : vector<32x256xi32>
      %xor3A_1454 = arith.xori %or3A_1453, %add3A_1446 : vector<32x256xi32>
      %add3A_1455 = arith.addi %add3A_1446, %xor3A_1454 : vector<32x256xi32>
      %shift_left3A_1456 = arith.constant 6 : i32
      %shift_left3A_1457 = vector.broadcast %shift_left3A_1456 : i32 to vector<32x256xi32>
      %shift_left3A_1458 = arith.shli %xor3A_1454, %shift_left3A_1457 : vector<32x256xi32>
      %shift_right_logical3A_1459 = arith.constant 26 : i32
      %shift_right_logical3A_1460 = vector.broadcast %shift_right_logical3A_1459 : i32 to vector<32x256xi32>
      %shift_right_logical3A_1461 = arith.shrui %xor3A_1454, %shift_right_logical3A_1460 : vector<32x256xi32>
      %or3A_1462 = arith.ori %shift_left3A_1458, %shift_right_logical3A_1461 : vector<32x256xi32>
      %xor3A_1463 = arith.xori %or3A_1462, %add3A_1455 : vector<32x256xi32>
      %add3A_1464 = arith.constant 466689008 : i32
      %add3A_1465 = vector.broadcast %add3A_1464 : i32 to vector<32x256xi32>
      %add3A_1466 = arith.addi %add3A_1455, %add3A_1465 : vector<32x256xi32>
      %add3A_1467 = arith.constant 5 : i32
      %add3A_1468 = vector.broadcast %add3A_1467 : i32 to vector<32x256xi32>
      %add3A_1469 = arith.addi %xor3A_1463, %add3A_1468 : vector<32x256xi32>
      %xor3A_1470 = arith.xori %add3A_1466, %add3A_1469 : vector<32x256xi32>
      %shift_right_logical3A_1471 = arith.constant 9 : i32
      %shift_right_logical3A_1472 = vector.broadcast %shift_right_logical3A_1471 : i32 to vector<32x256xi32>
      %shift_right_logical3A_1473 = arith.shrui %xor3A_1470, %shift_right_logical3A_1472 : vector<32x256xi32>
      %or3A_1474 = arith.constant 1065353216 : i32
      %or3A_1475 = vector.broadcast %or3A_1474 : i32 to vector<32x256xi32>
      %or3A_1476 = arith.ori %shift_right_logical3A_1473, %or3A_1475 : vector<32x256xi32>
      %bitcast_convert_type3A_1477 = tpu.bitcast %or3A_1476 : vector<32x256xi32> -> vector<32x256xf32>
      %sub3A_1478 = arith.constant 1.000000e+00 : f32
      %sub3A_1479 = vector.broadcast %sub3A_1478 : f32 to vector<32x256xf32>
      %sub3A_1480 = arith.subf %bitcast_convert_type3A_1477, %sub3A_1479 : vector<32x256xf32>
      %log3A_1481 = math.log %sub3A_1480 : vector<32x256xf32>
      %log3A_1482 = arith.constant 2.000000e+00 : f32
      %log3A_1483 = math.log %log3A_1482 : f32
      %div3A_1484 = vector.broadcast %log3A_1483 : f32 to vector<32x256xf32>
      %div3A_1485 = arith.divf %log3A_1481, %div3A_1484 : vector<32x256xf32>
      %get3A_1486 = arith.index_cast %add3A_1251 : i32 to index
      %get3A_1487 = arith.constant 0 : index
      %get3A_1488 = vector.load %arg1[%get3A_1486, %get3A_1487] : memref<392x256xf32, #tpu.memory_space<vmem>>, vector<1x256xf32>
      %get3A_1489 = vector.shape_cast %get3A_1488 : vector<1x256xf32> to vector<256xf32>
      %broadcast_in_dim3A_1490 = vector.shape_cast %get3A_1489 : vector<256xf32> to vector<1x256xf32>
      %mul3A_1491 = vector.broadcast %broadcast_in_dim3A_1490 : vector<1x256xf32> to vector<32x256xf32>
      %mul3A_1492 = arith.mulf %div3A_1485, %mul3A_1491 : vector<32x256xf32>
      %mul3A_1493 = arith.constant 8 : i32
      %mul3A_1494 = arith.muli %scan3A_29, %mul3A_1493 : i32
      %add3A_1495 = arith.constant 6 : i32
      %add3A_1496 = arith.addi %mul3A_1494, %add3A_1495 : i32
      %mul3A_1497 = arith.constant 256 : i32
      %mul3A_1498 = arith.muli %add3A_1496, %mul3A_1497 : i32
      %add3A_1499 = vector.broadcast %mul3A_1498 : i32 to vector<32x256xi32>
      %add3A_1500 = arith.addi %iota3A_9, %add3A_1499 : vector<32x256xi32>
      %add3A_1501 = arith.addi %shift_left3A_8, %add3A_1500 : vector<32x256xi32>
      %lt3A_1502 = arith.cmpi ult, %add3A_1501, %shift_left3A_8 : vector<32x256xi32>
      %convert_element_type3A_1503 = arith.extui %lt3A_1502 : vector<32x256xi1> to vector<32x256xi32>
      %add3A_1504 = arith.addi %shift_right_logical3A_6, %convert_element_type3A_1503 : vector<32x256xi32>
      %add3A_1505 = arith.constant 42 : i32
      %add3A_1506 = vector.broadcast %add3A_1505 : i32 to vector<32x256xi32>
      %add3A_1507 = arith.addi %add3A_1501, %add3A_1506 : vector<32x256xi32>
      %add3A_1508 = arith.addi %add3A_1504, %add3A_1507 : vector<32x256xi32>
      %shift_left3A_1509 = arith.constant 13 : i32
      %shift_left3A_1510 = vector.broadcast %shift_left3A_1509 : i32 to vector<32x256xi32>
      %shift_left3A_1511 = arith.shli %add3A_1507, %shift_left3A_1510 : vector<32x256xi32>
      %shift_right_logical3A_1512 = arith.constant 19 : i32
      %shift_right_logical3A_1513 = vector.broadcast %shift_right_logical3A_1512 : i32 to vector<32x256xi32>
      %shift_right_logical3A_1514 = arith.shrui %add3A_1507, %shift_right_logical3A_1513 : vector<32x256xi32>
      %or3A_1515 = arith.ori %shift_left3A_1511, %shift_right_logical3A_1514 : vector<32x256xi32>
      %xor3A_1516 = arith.xori %or3A_1515, %add3A_1508 : vector<32x256xi32>
      %add3A_1517 = arith.addi %add3A_1508, %xor3A_1516 : vector<32x256xi32>
      %shift_left3A_1518 = arith.constant 15 : i32
      %shift_left3A_1519 = vector.broadcast %shift_left3A_1518 : i32 to vector<32x256xi32>
      %shift_left3A_1520 = arith.shli %xor3A_1516, %shift_left3A_1519 : vector<32x256xi32>
      %shift_right_logical3A_1521 = arith.constant 17 : i32
      %shift_right_logical3A_1522 = vector.broadcast %shift_right_logical3A_1521 : i32 to vector<32x256xi32>
      %shift_right_logical3A_1523 = arith.shrui %xor3A_1516, %shift_right_logical3A_1522 : vector<32x256xi32>
      %or3A_1524 = arith.ori %shift_left3A_1520, %shift_right_logical3A_1523 : vector<32x256xi32>
      %xor3A_1525 = arith.xori %or3A_1524, %add3A_1517 : vector<32x256xi32>
      %add3A_1526 = arith.addi %add3A_1517, %xor3A_1525 : vector<32x256xi32>
      %shift_left3A_1527 = arith.constant 26 : i32
      %shift_left3A_1528 = vector.broadcast %shift_left3A_1527 : i32 to vector<32x256xi32>
      %shift_left3A_1529 = arith.shli %xor3A_1525, %shift_left3A_1528 : vector<32x256xi32>
      %shift_right_logical3A_1530 = arith.constant 6 : i32
      %shift_right_logical3A_1531 = vector.broadcast %shift_right_logical3A_1530 : i32 to vector<32x256xi32>
      %shift_right_logical3A_1532 = arith.shrui %xor3A_1525, %shift_right_logical3A_1531 : vector<32x256xi32>
      %or3A_1533 = arith.ori %shift_left3A_1529, %shift_right_logical3A_1532 : vector<32x256xi32>
      %xor3A_1534 = arith.xori %or3A_1533, %add3A_1526 : vector<32x256xi32>
      %add3A_1535 = arith.addi %add3A_1526, %xor3A_1534 : vector<32x256xi32>
      %shift_left3A_1536 = arith.constant 6 : i32
      %shift_left3A_1537 = vector.broadcast %shift_left3A_1536 : i32 to vector<32x256xi32>
      %shift_left3A_1538 = arith.shli %xor3A_1534, %shift_left3A_1537 : vector<32x256xi32>
      %shift_right_logical3A_1539 = arith.constant 26 : i32
      %shift_right_logical3A_1540 = vector.broadcast %shift_right_logical3A_1539 : i32 to vector<32x256xi32>
      %shift_right_logical3A_1541 = arith.shrui %xor3A_1534, %shift_right_logical3A_1540 : vector<32x256xi32>
      %or3A_1542 = arith.ori %shift_left3A_1538, %shift_right_logical3A_1541 : vector<32x256xi32>
      %xor3A_1543 = arith.xori %or3A_1542, %add3A_1535 : vector<32x256xi32>
      %add3A_1544 = arith.constant 42 : i32
      %add3A_1545 = vector.broadcast %add3A_1544 : i32 to vector<32x256xi32>
      %add3A_1546 = arith.addi %add3A_1535, %add3A_1545 : vector<32x256xi32>
      %add3A_1547 = arith.constant 466689009 : i32
      %add3A_1548 = vector.broadcast %add3A_1547 : i32 to vector<32x256xi32>
      %add3A_1549 = arith.addi %xor3A_1543, %add3A_1548 : vector<32x256xi32>
      %add3A_1550 = arith.addi %add3A_1546, %add3A_1549 : vector<32x256xi32>
      %shift_left3A_1551 = arith.constant 17 : i32
      %shift_left3A_1552 = vector.broadcast %shift_left3A_1551 : i32 to vector<32x256xi32>
      %shift_left3A_1553 = arith.shli %add3A_1549, %shift_left3A_1552 : vector<32x256xi32>
      %shift_right_logical3A_1554 = arith.constant 15 : i32
      %shift_right_logical3A_1555 = vector.broadcast %shift_right_logical3A_1554 : i32 to vector<32x256xi32>
      %shift_right_logical3A_1556 = arith.shrui %add3A_1549, %shift_right_logical3A_1555 : vector<32x256xi32>
      %or3A_1557 = arith.ori %shift_left3A_1553, %shift_right_logical3A_1556 : vector<32x256xi32>
      %xor3A_1558 = arith.xori %or3A_1557, %add3A_1550 : vector<32x256xi32>
      %add3A_1559 = arith.addi %add3A_1550, %xor3A_1558 : vector<32x256xi32>
      %shift_left3A_1560 = arith.constant 29 : i32
      %shift_left3A_1561 = vector.broadcast %shift_left3A_1560 : i32 to vector<32x256xi32>
      %shift_left3A_1562 = arith.shli %xor3A_1558, %shift_left3A_1561 : vector<32x256xi32>
      %shift_right_logical3A_1563 = arith.constant 3 : i32
      %shift_right_logical3A_1564 = vector.broadcast %shift_right_logical3A_1563 : i32 to vector<32x256xi32>
      %shift_right_logical3A_1565 = arith.shrui %xor3A_1558, %shift_right_logical3A_1564 : vector<32x256xi32>
      %or3A_1566 = arith.ori %shift_left3A_1562, %shift_right_logical3A_1565 : vector<32x256xi32>
      %xor3A_1567 = arith.xori %or3A_1566, %add3A_1559 : vector<32x256xi32>
      %add3A_1568 = arith.addi %add3A_1559, %xor3A_1567 : vector<32x256xi32>
      %shift_left3A_1569 = arith.constant 16 : i32
      %shift_left3A_1570 = vector.broadcast %shift_left3A_1569 : i32 to vector<32x256xi32>
      %shift_left3A_1571 = arith.shli %xor3A_1567, %shift_left3A_1570 : vector<32x256xi32>
      %shift_right_logical3A_1572 = arith.constant 16 : i32
      %shift_right_logical3A_1573 = vector.broadcast %shift_right_logical3A_1572 : i32 to vector<32x256xi32>
      %shift_right_logical3A_1574 = arith.shrui %xor3A_1567, %shift_right_logical3A_1573 : vector<32x256xi32>
      %or3A_1575 = arith.ori %shift_left3A_1571, %shift_right_logical3A_1574 : vector<32x256xi32>
      %xor3A_1576 = arith.xori %or3A_1575, %add3A_1568 : vector<32x256xi32>
      %add3A_1577 = arith.addi %add3A_1568, %xor3A_1576 : vector<32x256xi32>
      %shift_left3A_1578 = arith.constant 24 : i32
      %shift_left3A_1579 = vector.broadcast %shift_left3A_1578 : i32 to vector<32x256xi32>
      %shift_left3A_1580 = arith.shli %xor3A_1576, %shift_left3A_1579 : vector<32x256xi32>
      %shift_right_logical3A_1581 = arith.constant 8 : i32
      %shift_right_logical3A_1582 = vector.broadcast %shift_right_logical3A_1581 : i32 to vector<32x256xi32>
      %shift_right_logical3A_1583 = arith.shrui %xor3A_1576, %shift_right_logical3A_1582 : vector<32x256xi32>
      %or3A_1584 = arith.ori %shift_left3A_1580, %shift_right_logical3A_1583 : vector<32x256xi32>
      %xor3A_1585 = arith.xori %or3A_1584, %add3A_1577 : vector<32x256xi32>
      %add3A_1586 = arith.constant 466689008 : i32
      %add3A_1587 = vector.broadcast %add3A_1586 : i32 to vector<32x256xi32>
      %add3A_1588 = arith.addi %add3A_1577, %add3A_1587 : vector<32x256xi32>
      %add3A_1589 = arith.constant 2 : i32
      %add3A_1590 = vector.broadcast %add3A_1589 : i32 to vector<32x256xi32>
      %add3A_1591 = arith.addi %xor3A_1585, %add3A_1590 : vector<32x256xi32>
      %add3A_1592 = arith.addi %add3A_1588, %add3A_1591 : vector<32x256xi32>
      %shift_left3A_1593 = arith.constant 13 : i32
      %shift_left3A_1594 = vector.broadcast %shift_left3A_1593 : i32 to vector<32x256xi32>
      %shift_left3A_1595 = arith.shli %add3A_1591, %shift_left3A_1594 : vector<32x256xi32>
      %shift_right_logical3A_1596 = arith.constant 19 : i32
      %shift_right_logical3A_1597 = vector.broadcast %shift_right_logical3A_1596 : i32 to vector<32x256xi32>
      %shift_right_logical3A_1598 = arith.shrui %add3A_1591, %shift_right_logical3A_1597 : vector<32x256xi32>
      %or3A_1599 = arith.ori %shift_left3A_1595, %shift_right_logical3A_1598 : vector<32x256xi32>
      %xor3A_1600 = arith.xori %or3A_1599, %add3A_1592 : vector<32x256xi32>
      %add3A_1601 = arith.addi %add3A_1592, %xor3A_1600 : vector<32x256xi32>
      %shift_left3A_1602 = arith.constant 15 : i32
      %shift_left3A_1603 = vector.broadcast %shift_left3A_1602 : i32 to vector<32x256xi32>
      %shift_left3A_1604 = arith.shli %xor3A_1600, %shift_left3A_1603 : vector<32x256xi32>
      %shift_right_logical3A_1605 = arith.constant 17 : i32
      %shift_right_logical3A_1606 = vector.broadcast %shift_right_logical3A_1605 : i32 to vector<32x256xi32>
      %shift_right_logical3A_1607 = arith.shrui %xor3A_1600, %shift_right_logical3A_1606 : vector<32x256xi32>
      %or3A_1608 = arith.ori %shift_left3A_1604, %shift_right_logical3A_1607 : vector<32x256xi32>
      %xor3A_1609 = arith.xori %or3A_1608, %add3A_1601 : vector<32x256xi32>
      %add3A_1610 = arith.addi %add3A_1601, %xor3A_1609 : vector<32x256xi32>
      %shift_left3A_1611 = arith.constant 26 : i32
      %shift_left3A_1612 = vector.broadcast %shift_left3A_1611 : i32 to vector<32x256xi32>
      %shift_left3A_1613 = arith.shli %xor3A_1609, %shift_left3A_1612 : vector<32x256xi32>
      %shift_right_logical3A_1614 = arith.constant 6 : i32
      %shift_right_logical3A_1615 = vector.broadcast %shift_right_logical3A_1614 : i32 to vector<32x256xi32>
      %shift_right_logical3A_1616 = arith.shrui %xor3A_1609, %shift_right_logical3A_1615 : vector<32x256xi32>
      %or3A_1617 = arith.ori %shift_left3A_1613, %shift_right_logical3A_1616 : vector<32x256xi32>
      %xor3A_1618 = arith.xori %or3A_1617, %add3A_1610 : vector<32x256xi32>
      %add3A_1619 = arith.addi %add3A_1610, %xor3A_1618 : vector<32x256xi32>
      %shift_left3A_1620 = arith.constant 6 : i32
      %shift_left3A_1621 = vector.broadcast %shift_left3A_1620 : i32 to vector<32x256xi32>
      %shift_left3A_1622 = arith.shli %xor3A_1618, %shift_left3A_1621 : vector<32x256xi32>
      %shift_right_logical3A_1623 = arith.constant 26 : i32
      %shift_right_logical3A_1624 = vector.broadcast %shift_right_logical3A_1623 : i32 to vector<32x256xi32>
      %shift_right_logical3A_1625 = arith.shrui %xor3A_1618, %shift_right_logical3A_1624 : vector<32x256xi32>
      %or3A_1626 = arith.ori %shift_left3A_1622, %shift_right_logical3A_1625 : vector<32x256xi32>
      %xor3A_1627 = arith.xori %or3A_1626, %add3A_1619 : vector<32x256xi32>
      %add3A_1628 = arith.constant 45 : i32
      %add3A_1629 = vector.broadcast %add3A_1628 : i32 to vector<32x256xi32>
      %add3A_1630 = arith.addi %xor3A_1627, %add3A_1629 : vector<32x256xi32>
      %add3A_1631 = arith.addi %add3A_1619, %add3A_1630 : vector<32x256xi32>
      %shift_left3A_1632 = arith.constant 17 : i32
      %shift_left3A_1633 = vector.broadcast %shift_left3A_1632 : i32 to vector<32x256xi32>
      %shift_left3A_1634 = arith.shli %add3A_1630, %shift_left3A_1633 : vector<32x256xi32>
      %shift_right_logical3A_1635 = arith.constant 15 : i32
      %shift_right_logical3A_1636 = vector.broadcast %shift_right_logical3A_1635 : i32 to vector<32x256xi32>
      %shift_right_logical3A_1637 = arith.shrui %add3A_1630, %shift_right_logical3A_1636 : vector<32x256xi32>
      %or3A_1638 = arith.ori %shift_left3A_1634, %shift_right_logical3A_1637 : vector<32x256xi32>
      %xor3A_1639 = arith.xori %or3A_1638, %add3A_1631 : vector<32x256xi32>
      %add3A_1640 = arith.addi %add3A_1631, %xor3A_1639 : vector<32x256xi32>
      %shift_left3A_1641 = arith.constant 29 : i32
      %shift_left3A_1642 = vector.broadcast %shift_left3A_1641 : i32 to vector<32x256xi32>
      %shift_left3A_1643 = arith.shli %xor3A_1639, %shift_left3A_1642 : vector<32x256xi32>
      %shift_right_logical3A_1644 = arith.constant 3 : i32
      %shift_right_logical3A_1645 = vector.broadcast %shift_right_logical3A_1644 : i32 to vector<32x256xi32>
      %shift_right_logical3A_1646 = arith.shrui %xor3A_1639, %shift_right_logical3A_1645 : vector<32x256xi32>
      %or3A_1647 = arith.ori %shift_left3A_1643, %shift_right_logical3A_1646 : vector<32x256xi32>
      %xor3A_1648 = arith.xori %or3A_1647, %add3A_1640 : vector<32x256xi32>
      %add3A_1649 = arith.addi %add3A_1640, %xor3A_1648 : vector<32x256xi32>
      %shift_left3A_1650 = arith.constant 16 : i32
      %shift_left3A_1651 = vector.broadcast %shift_left3A_1650 : i32 to vector<32x256xi32>
      %shift_left3A_1652 = arith.shli %xor3A_1648, %shift_left3A_1651 : vector<32x256xi32>
      %shift_right_logical3A_1653 = arith.constant 16 : i32
      %shift_right_logical3A_1654 = vector.broadcast %shift_right_logical3A_1653 : i32 to vector<32x256xi32>
      %shift_right_logical3A_1655 = arith.shrui %xor3A_1648, %shift_right_logical3A_1654 : vector<32x256xi32>
      %or3A_1656 = arith.ori %shift_left3A_1652, %shift_right_logical3A_1655 : vector<32x256xi32>
      %xor3A_1657 = arith.xori %or3A_1656, %add3A_1649 : vector<32x256xi32>
      %add3A_1658 = arith.addi %add3A_1649, %xor3A_1657 : vector<32x256xi32>
      %shift_left3A_1659 = arith.constant 24 : i32
      %shift_left3A_1660 = vector.broadcast %shift_left3A_1659 : i32 to vector<32x256xi32>
      %shift_left3A_1661 = arith.shli %xor3A_1657, %shift_left3A_1660 : vector<32x256xi32>
      %shift_right_logical3A_1662 = arith.constant 8 : i32
      %shift_right_logical3A_1663 = vector.broadcast %shift_right_logical3A_1662 : i32 to vector<32x256xi32>
      %shift_right_logical3A_1664 = arith.shrui %xor3A_1657, %shift_right_logical3A_1663 : vector<32x256xi32>
      %or3A_1665 = arith.ori %shift_left3A_1661, %shift_right_logical3A_1664 : vector<32x256xi32>
      %xor3A_1666 = arith.xori %or3A_1665, %add3A_1658 : vector<32x256xi32>
      %add3A_1667 = arith.constant 42 : i32
      %add3A_1668 = vector.broadcast %add3A_1667 : i32 to vector<32x256xi32>
      %add3A_1669 = arith.addi %add3A_1658, %add3A_1668 : vector<32x256xi32>
      %add3A_1670 = arith.constant 466689012 : i32
      %add3A_1671 = vector.broadcast %add3A_1670 : i32 to vector<32x256xi32>
      %add3A_1672 = arith.addi %xor3A_1666, %add3A_1671 : vector<32x256xi32>
      %add3A_1673 = arith.addi %add3A_1669, %add3A_1672 : vector<32x256xi32>
      %shift_left3A_1674 = arith.constant 13 : i32
      %shift_left3A_1675 = vector.broadcast %shift_left3A_1674 : i32 to vector<32x256xi32>
      %shift_left3A_1676 = arith.shli %add3A_1672, %shift_left3A_1675 : vector<32x256xi32>
      %shift_right_logical3A_1677 = arith.constant 19 : i32
      %shift_right_logical3A_1678 = vector.broadcast %shift_right_logical3A_1677 : i32 to vector<32x256xi32>
      %shift_right_logical3A_1679 = arith.shrui %add3A_1672, %shift_right_logical3A_1678 : vector<32x256xi32>
      %or3A_1680 = arith.ori %shift_left3A_1676, %shift_right_logical3A_1679 : vector<32x256xi32>
      %xor3A_1681 = arith.xori %or3A_1680, %add3A_1673 : vector<32x256xi32>
      %add3A_1682 = arith.addi %add3A_1673, %xor3A_1681 : vector<32x256xi32>
      %shift_left3A_1683 = arith.constant 15 : i32
      %shift_left3A_1684 = vector.broadcast %shift_left3A_1683 : i32 to vector<32x256xi32>
      %shift_left3A_1685 = arith.shli %xor3A_1681, %shift_left3A_1684 : vector<32x256xi32>
      %shift_right_logical3A_1686 = arith.constant 17 : i32
      %shift_right_logical3A_1687 = vector.broadcast %shift_right_logical3A_1686 : i32 to vector<32x256xi32>
      %shift_right_logical3A_1688 = arith.shrui %xor3A_1681, %shift_right_logical3A_1687 : vector<32x256xi32>
      %or3A_1689 = arith.ori %shift_left3A_1685, %shift_right_logical3A_1688 : vector<32x256xi32>
      %xor3A_1690 = arith.xori %or3A_1689, %add3A_1682 : vector<32x256xi32>
      %add3A_1691 = arith.addi %add3A_1682, %xor3A_1690 : vector<32x256xi32>
      %shift_left3A_1692 = arith.constant 26 : i32
      %shift_left3A_1693 = vector.broadcast %shift_left3A_1692 : i32 to vector<32x256xi32>
      %shift_left3A_1694 = arith.shli %xor3A_1690, %shift_left3A_1693 : vector<32x256xi32>
      %shift_right_logical3A_1695 = arith.constant 6 : i32
      %shift_right_logical3A_1696 = vector.broadcast %shift_right_logical3A_1695 : i32 to vector<32x256xi32>
      %shift_right_logical3A_1697 = arith.shrui %xor3A_1690, %shift_right_logical3A_1696 : vector<32x256xi32>
      %or3A_1698 = arith.ori %shift_left3A_1694, %shift_right_logical3A_1697 : vector<32x256xi32>
      %xor3A_1699 = arith.xori %or3A_1698, %add3A_1691 : vector<32x256xi32>
      %add3A_1700 = arith.addi %add3A_1691, %xor3A_1699 : vector<32x256xi32>
      %shift_left3A_1701 = arith.constant 6 : i32
      %shift_left3A_1702 = vector.broadcast %shift_left3A_1701 : i32 to vector<32x256xi32>
      %shift_left3A_1703 = arith.shli %xor3A_1699, %shift_left3A_1702 : vector<32x256xi32>
      %shift_right_logical3A_1704 = arith.constant 26 : i32
      %shift_right_logical3A_1705 = vector.broadcast %shift_right_logical3A_1704 : i32 to vector<32x256xi32>
      %shift_right_logical3A_1706 = arith.shrui %xor3A_1699, %shift_right_logical3A_1705 : vector<32x256xi32>
      %or3A_1707 = arith.ori %shift_left3A_1703, %shift_right_logical3A_1706 : vector<32x256xi32>
      %xor3A_1708 = arith.xori %or3A_1707, %add3A_1700 : vector<32x256xi32>
      %add3A_1709 = arith.constant 466689008 : i32
      %add3A_1710 = vector.broadcast %add3A_1709 : i32 to vector<32x256xi32>
      %add3A_1711 = arith.addi %add3A_1700, %add3A_1710 : vector<32x256xi32>
      %add3A_1712 = arith.constant 5 : i32
      %add3A_1713 = vector.broadcast %add3A_1712 : i32 to vector<32x256xi32>
      %add3A_1714 = arith.addi %xor3A_1708, %add3A_1713 : vector<32x256xi32>
      %xor3A_1715 = arith.xori %add3A_1711, %add3A_1714 : vector<32x256xi32>
      %shift_right_logical3A_1716 = arith.constant 9 : i32
      %shift_right_logical3A_1717 = vector.broadcast %shift_right_logical3A_1716 : i32 to vector<32x256xi32>
      %shift_right_logical3A_1718 = arith.shrui %xor3A_1715, %shift_right_logical3A_1717 : vector<32x256xi32>
      %or3A_1719 = arith.constant 1065353216 : i32
      %or3A_1720 = vector.broadcast %or3A_1719 : i32 to vector<32x256xi32>
      %or3A_1721 = arith.ori %shift_right_logical3A_1718, %or3A_1720 : vector<32x256xi32>
      %bitcast_convert_type3A_1722 = tpu.bitcast %or3A_1721 : vector<32x256xi32> -> vector<32x256xf32>
      %sub3A_1723 = arith.constant 1.000000e+00 : f32
      %sub3A_1724 = vector.broadcast %sub3A_1723 : f32 to vector<32x256xf32>
      %sub3A_1725 = arith.subf %bitcast_convert_type3A_1722, %sub3A_1724 : vector<32x256xf32>
      %log3A_1726 = math.log %sub3A_1725 : vector<32x256xf32>
      %log3A_1727 = arith.constant 2.000000e+00 : f32
      %log3A_1728 = math.log %log3A_1727 : f32
      %div3A_1729 = vector.broadcast %log3A_1728 : f32 to vector<32x256xf32>
      %div3A_1730 = arith.divf %log3A_1726, %div3A_1729 : vector<32x256xf32>
      %get3A_1731 = arith.index_cast %add3A_1496 : i32 to index
      %get3A_1732 = arith.constant 0 : index
      %get3A_1733 = vector.load %arg1[%get3A_1731, %get3A_1732] : memref<392x256xf32, #tpu.memory_space<vmem>>, vector<1x256xf32>
      %get3A_1734 = vector.shape_cast %get3A_1733 : vector<1x256xf32> to vector<256xf32>
      %broadcast_in_dim3A_1735 = vector.shape_cast %get3A_1734 : vector<256xf32> to vector<1x256xf32>
      %mul3A_1736 = vector.broadcast %broadcast_in_dim3A_1735 : vector<1x256xf32> to vector<32x256xf32>
      %mul3A_1737 = arith.mulf %div3A_1730, %mul3A_1736 : vector<32x256xf32>
      %mul3A_1738 = arith.constant 8 : i32
      %mul3A_1739 = arith.muli %scan3A_29, %mul3A_1738 : i32
      %add3A_1740 = arith.constant 7 : i32
      %add3A_1741 = arith.addi %mul3A_1739, %add3A_1740 : i32
      %mul3A_1742 = arith.constant 256 : i32
      %mul3A_1743 = arith.muli %add3A_1741, %mul3A_1742 : i32
      %add3A_1744 = vector.broadcast %mul3A_1743 : i32 to vector<32x256xi32>
      %add3A_1745 = arith.addi %iota3A_9, %add3A_1744 : vector<32x256xi32>
      %add3A_1746 = arith.addi %shift_left3A_8, %add3A_1745 : vector<32x256xi32>
      %lt3A_1747 = arith.cmpi ult, %add3A_1746, %shift_left3A_8 : vector<32x256xi32>
      %convert_element_type3A_1748 = arith.extui %lt3A_1747 : vector<32x256xi1> to vector<32x256xi32>
      %add3A_1749 = arith.addi %shift_right_logical3A_6, %convert_element_type3A_1748 : vector<32x256xi32>
      %add3A_1750 = arith.constant 42 : i32
      %add3A_1751 = vector.broadcast %add3A_1750 : i32 to vector<32x256xi32>
      %add3A_1752 = arith.addi %add3A_1746, %add3A_1751 : vector<32x256xi32>
      %add3A_1753 = arith.addi %add3A_1749, %add3A_1752 : vector<32x256xi32>
      %shift_left3A_1754 = arith.constant 13 : i32
      %shift_left3A_1755 = vector.broadcast %shift_left3A_1754 : i32 to vector<32x256xi32>
      %shift_left3A_1756 = arith.shli %add3A_1752, %shift_left3A_1755 : vector<32x256xi32>
      %shift_right_logical3A_1757 = arith.constant 19 : i32
      %shift_right_logical3A_1758 = vector.broadcast %shift_right_logical3A_1757 : i32 to vector<32x256xi32>
      %shift_right_logical3A_1759 = arith.shrui %add3A_1752, %shift_right_logical3A_1758 : vector<32x256xi32>
      %or3A_1760 = arith.ori %shift_left3A_1756, %shift_right_logical3A_1759 : vector<32x256xi32>
      %xor3A_1761 = arith.xori %or3A_1760, %add3A_1753 : vector<32x256xi32>
      %add3A_1762 = arith.addi %add3A_1753, %xor3A_1761 : vector<32x256xi32>
      %shift_left3A_1763 = arith.constant 15 : i32
      %shift_left3A_1764 = vector.broadcast %shift_left3A_1763 : i32 to vector<32x256xi32>
      %shift_left3A_1765 = arith.shli %xor3A_1761, %shift_left3A_1764 : vector<32x256xi32>
      %shift_right_logical3A_1766 = arith.constant 17 : i32
      %shift_right_logical3A_1767 = vector.broadcast %shift_right_logical3A_1766 : i32 to vector<32x256xi32>
      %shift_right_logical3A_1768 = arith.shrui %xor3A_1761, %shift_right_logical3A_1767 : vector<32x256xi32>
      %or3A_1769 = arith.ori %shift_left3A_1765, %shift_right_logical3A_1768 : vector<32x256xi32>
      %xor3A_1770 = arith.xori %or3A_1769, %add3A_1762 : vector<32x256xi32>
      %add3A_1771 = arith.addi %add3A_1762, %xor3A_1770 : vector<32x256xi32>
      %shift_left3A_1772 = arith.constant 26 : i32
      %shift_left3A_1773 = vector.broadcast %shift_left3A_1772 : i32 to vector<32x256xi32>
      %shift_left3A_1774 = arith.shli %xor3A_1770, %shift_left3A_1773 : vector<32x256xi32>
      %shift_right_logical3A_1775 = arith.constant 6 : i32
      %shift_right_logical3A_1776 = vector.broadcast %shift_right_logical3A_1775 : i32 to vector<32x256xi32>
      %shift_right_logical3A_1777 = arith.shrui %xor3A_1770, %shift_right_logical3A_1776 : vector<32x256xi32>
      %or3A_1778 = arith.ori %shift_left3A_1774, %shift_right_logical3A_1777 : vector<32x256xi32>
      %xor3A_1779 = arith.xori %or3A_1778, %add3A_1771 : vector<32x256xi32>
      %add3A_1780 = arith.addi %add3A_1771, %xor3A_1779 : vector<32x256xi32>
      %shift_left3A_1781 = arith.constant 6 : i32
      %shift_left3A_1782 = vector.broadcast %shift_left3A_1781 : i32 to vector<32x256xi32>
      %shift_left3A_1783 = arith.shli %xor3A_1779, %shift_left3A_1782 : vector<32x256xi32>
      %shift_right_logical3A_1784 = arith.constant 26 : i32
      %shift_right_logical3A_1785 = vector.broadcast %shift_right_logical3A_1784 : i32 to vector<32x256xi32>
      %shift_right_logical3A_1786 = arith.shrui %xor3A_1779, %shift_right_logical3A_1785 : vector<32x256xi32>
      %or3A_1787 = arith.ori %shift_left3A_1783, %shift_right_logical3A_1786 : vector<32x256xi32>
      %xor3A_1788 = arith.xori %or3A_1787, %add3A_1780 : vector<32x256xi32>
      %add3A_1789 = arith.constant 42 : i32
      %add3A_1790 = vector.broadcast %add3A_1789 : i32 to vector<32x256xi32>
      %add3A_1791 = arith.addi %add3A_1780, %add3A_1790 : vector<32x256xi32>
      %add3A_1792 = arith.constant 466689009 : i32
      %add3A_1793 = vector.broadcast %add3A_1792 : i32 to vector<32x256xi32>
      %add3A_1794 = arith.addi %xor3A_1788, %add3A_1793 : vector<32x256xi32>
      %add3A_1795 = arith.addi %add3A_1791, %add3A_1794 : vector<32x256xi32>
      %shift_left3A_1796 = arith.constant 17 : i32
      %shift_left3A_1797 = vector.broadcast %shift_left3A_1796 : i32 to vector<32x256xi32>
      %shift_left3A_1798 = arith.shli %add3A_1794, %shift_left3A_1797 : vector<32x256xi32>
      %shift_right_logical3A_1799 = arith.constant 15 : i32
      %shift_right_logical3A_1800 = vector.broadcast %shift_right_logical3A_1799 : i32 to vector<32x256xi32>
      %shift_right_logical3A_1801 = arith.shrui %add3A_1794, %shift_right_logical3A_1800 : vector<32x256xi32>
      %or3A_1802 = arith.ori %shift_left3A_1798, %shift_right_logical3A_1801 : vector<32x256xi32>
      %xor3A_1803 = arith.xori %or3A_1802, %add3A_1795 : vector<32x256xi32>
      %add3A_1804 = arith.addi %add3A_1795, %xor3A_1803 : vector<32x256xi32>
      %shift_left3A_1805 = arith.constant 29 : i32
      %shift_left3A_1806 = vector.broadcast %shift_left3A_1805 : i32 to vector<32x256xi32>
      %shift_left3A_1807 = arith.shli %xor3A_1803, %shift_left3A_1806 : vector<32x256xi32>
      %shift_right_logical3A_1808 = arith.constant 3 : i32
      %shift_right_logical3A_1809 = vector.broadcast %shift_right_logical3A_1808 : i32 to vector<32x256xi32>
      %shift_right_logical3A_1810 = arith.shrui %xor3A_1803, %shift_right_logical3A_1809 : vector<32x256xi32>
      %or3A_1811 = arith.ori %shift_left3A_1807, %shift_right_logical3A_1810 : vector<32x256xi32>
      %xor3A_1812 = arith.xori %or3A_1811, %add3A_1804 : vector<32x256xi32>
      %add3A_1813 = arith.addi %add3A_1804, %xor3A_1812 : vector<32x256xi32>
      %shift_left3A_1814 = arith.constant 16 : i32
      %shift_left3A_1815 = vector.broadcast %shift_left3A_1814 : i32 to vector<32x256xi32>
      %shift_left3A_1816 = arith.shli %xor3A_1812, %shift_left3A_1815 : vector<32x256xi32>
      %shift_right_logical3A_1817 = arith.constant 16 : i32
      %shift_right_logical3A_1818 = vector.broadcast %shift_right_logical3A_1817 : i32 to vector<32x256xi32>
      %shift_right_logical3A_1819 = arith.shrui %xor3A_1812, %shift_right_logical3A_1818 : vector<32x256xi32>
      %or3A_1820 = arith.ori %shift_left3A_1816, %shift_right_logical3A_1819 : vector<32x256xi32>
      %xor3A_1821 = arith.xori %or3A_1820, %add3A_1813 : vector<32x256xi32>
      %add3A_1822 = arith.addi %add3A_1813, %xor3A_1821 : vector<32x256xi32>
      %shift_left3A_1823 = arith.constant 24 : i32
      %shift_left3A_1824 = vector.broadcast %shift_left3A_1823 : i32 to vector<32x256xi32>
      %shift_left3A_1825 = arith.shli %xor3A_1821, %shift_left3A_1824 : vector<32x256xi32>
      %shift_right_logical3A_1826 = arith.constant 8 : i32
      %shift_right_logical3A_1827 = vector.broadcast %shift_right_logical3A_1826 : i32 to vector<32x256xi32>
      %shift_right_logical3A_1828 = arith.shrui %xor3A_1821, %shift_right_logical3A_1827 : vector<32x256xi32>
      %or3A_1829 = arith.ori %shift_left3A_1825, %shift_right_logical3A_1828 : vector<32x256xi32>
      %xor3A_1830 = arith.xori %or3A_1829, %add3A_1822 : vector<32x256xi32>
      %add3A_1831 = arith.constant 466689008 : i32
      %add3A_1832 = vector.broadcast %add3A_1831 : i32 to vector<32x256xi32>
      %add3A_1833 = arith.addi %add3A_1822, %add3A_1832 : vector<32x256xi32>
      %add3A_1834 = arith.constant 2 : i32
      %add3A_1835 = vector.broadcast %add3A_1834 : i32 to vector<32x256xi32>
      %add3A_1836 = arith.addi %xor3A_1830, %add3A_1835 : vector<32x256xi32>
      %add3A_1837 = arith.addi %add3A_1833, %add3A_1836 : vector<32x256xi32>
      %shift_left3A_1838 = arith.constant 13 : i32
      %shift_left3A_1839 = vector.broadcast %shift_left3A_1838 : i32 to vector<32x256xi32>
      %shift_left3A_1840 = arith.shli %add3A_1836, %shift_left3A_1839 : vector<32x256xi32>
      %shift_right_logical3A_1841 = arith.constant 19 : i32
      %shift_right_logical3A_1842 = vector.broadcast %shift_right_logical3A_1841 : i32 to vector<32x256xi32>
      %shift_right_logical3A_1843 = arith.shrui %add3A_1836, %shift_right_logical3A_1842 : vector<32x256xi32>
      %or3A_1844 = arith.ori %shift_left3A_1840, %shift_right_logical3A_1843 : vector<32x256xi32>
      %xor3A_1845 = arith.xori %or3A_1844, %add3A_1837 : vector<32x256xi32>
      %add3A_1846 = arith.addi %add3A_1837, %xor3A_1845 : vector<32x256xi32>
      %shift_left3A_1847 = arith.constant 15 : i32
      %shift_left3A_1848 = vector.broadcast %shift_left3A_1847 : i32 to vector<32x256xi32>
      %shift_left3A_1849 = arith.shli %xor3A_1845, %shift_left3A_1848 : vector<32x256xi32>
      %shift_right_logical3A_1850 = arith.constant 17 : i32
      %shift_right_logical3A_1851 = vector.broadcast %shift_right_logical3A_1850 : i32 to vector<32x256xi32>
      %shift_right_logical3A_1852 = arith.shrui %xor3A_1845, %shift_right_logical3A_1851 : vector<32x256xi32>
      %or3A_1853 = arith.ori %shift_left3A_1849, %shift_right_logical3A_1852 : vector<32x256xi32>
      %xor3A_1854 = arith.xori %or3A_1853, %add3A_1846 : vector<32x256xi32>
      %add3A_1855 = arith.addi %add3A_1846, %xor3A_1854 : vector<32x256xi32>
      %shift_left3A_1856 = arith.constant 26 : i32
      %shift_left3A_1857 = vector.broadcast %shift_left3A_1856 : i32 to vector<32x256xi32>
      %shift_left3A_1858 = arith.shli %xor3A_1854, %shift_left3A_1857 : vector<32x256xi32>
      %shift_right_logical3A_1859 = arith.constant 6 : i32
      %shift_right_logical3A_1860 = vector.broadcast %shift_right_logical3A_1859 : i32 to vector<32x256xi32>
      %shift_right_logical3A_1861 = arith.shrui %xor3A_1854, %shift_right_logical3A_1860 : vector<32x256xi32>
      %or3A_1862 = arith.ori %shift_left3A_1858, %shift_right_logical3A_1861 : vector<32x256xi32>
      %xor3A_1863 = arith.xori %or3A_1862, %add3A_1855 : vector<32x256xi32>
      %add3A_1864 = arith.addi %add3A_1855, %xor3A_1863 : vector<32x256xi32>
      %shift_left3A_1865 = arith.constant 6 : i32
      %shift_left3A_1866 = vector.broadcast %shift_left3A_1865 : i32 to vector<32x256xi32>
      %shift_left3A_1867 = arith.shli %xor3A_1863, %shift_left3A_1866 : vector<32x256xi32>
      %shift_right_logical3A_1868 = arith.constant 26 : i32
      %shift_right_logical3A_1869 = vector.broadcast %shift_right_logical3A_1868 : i32 to vector<32x256xi32>
      %shift_right_logical3A_1870 = arith.shrui %xor3A_1863, %shift_right_logical3A_1869 : vector<32x256xi32>
      %or3A_1871 = arith.ori %shift_left3A_1867, %shift_right_logical3A_1870 : vector<32x256xi32>
      %xor3A_1872 = arith.xori %or3A_1871, %add3A_1864 : vector<32x256xi32>
      %add3A_1873 = arith.constant 45 : i32
      %add3A_1874 = vector.broadcast %add3A_1873 : i32 to vector<32x256xi32>
      %add3A_1875 = arith.addi %xor3A_1872, %add3A_1874 : vector<32x256xi32>
      %add3A_1876 = arith.addi %add3A_1864, %add3A_1875 : vector<32x256xi32>
      %shift_left3A_1877 = arith.constant 17 : i32
      %shift_left3A_1878 = vector.broadcast %shift_left3A_1877 : i32 to vector<32x256xi32>
      %shift_left3A_1879 = arith.shli %add3A_1875, %shift_left3A_1878 : vector<32x256xi32>
      %shift_right_logical3A_1880 = arith.constant 15 : i32
      %shift_right_logical3A_1881 = vector.broadcast %shift_right_logical3A_1880 : i32 to vector<32x256xi32>
      %shift_right_logical3A_1882 = arith.shrui %add3A_1875, %shift_right_logical3A_1881 : vector<32x256xi32>
      %or3A_1883 = arith.ori %shift_left3A_1879, %shift_right_logical3A_1882 : vector<32x256xi32>
      %xor3A_1884 = arith.xori %or3A_1883, %add3A_1876 : vector<32x256xi32>
      %add3A_1885 = arith.addi %add3A_1876, %xor3A_1884 : vector<32x256xi32>
      %shift_left3A_1886 = arith.constant 29 : i32
      %shift_left3A_1887 = vector.broadcast %shift_left3A_1886 : i32 to vector<32x256xi32>
      %shift_left3A_1888 = arith.shli %xor3A_1884, %shift_left3A_1887 : vector<32x256xi32>
      %shift_right_logical3A_1889 = arith.constant 3 : i32
      %shift_right_logical3A_1890 = vector.broadcast %shift_right_logical3A_1889 : i32 to vector<32x256xi32>
      %shift_right_logical3A_1891 = arith.shrui %xor3A_1884, %shift_right_logical3A_1890 : vector<32x256xi32>
      %or3A_1892 = arith.ori %shift_left3A_1888, %shift_right_logical3A_1891 : vector<32x256xi32>
      %xor3A_1893 = arith.xori %or3A_1892, %add3A_1885 : vector<32x256xi32>
      %add3A_1894 = arith.addi %add3A_1885, %xor3A_1893 : vector<32x256xi32>
      %shift_left3A_1895 = arith.constant 16 : i32
      %shift_left3A_1896 = vector.broadcast %shift_left3A_1895 : i32 to vector<32x256xi32>
      %shift_left3A_1897 = arith.shli %xor3A_1893, %shift_left3A_1896 : vector<32x256xi32>
      %shift_right_logical3A_1898 = arith.constant 16 : i32
      %shift_right_logical3A_1899 = vector.broadcast %shift_right_logical3A_1898 : i32 to vector<32x256xi32>
      %shift_right_logical3A_1900 = arith.shrui %xor3A_1893, %shift_right_logical3A_1899 : vector<32x256xi32>
      %or3A_1901 = arith.ori %shift_left3A_1897, %shift_right_logical3A_1900 : vector<32x256xi32>
      %xor3A_1902 = arith.xori %or3A_1901, %add3A_1894 : vector<32x256xi32>
      %add3A_1903 = arith.addi %add3A_1894, %xor3A_1902 : vector<32x256xi32>
      %shift_left3A_1904 = arith.constant 24 : i32
      %shift_left3A_1905 = vector.broadcast %shift_left3A_1904 : i32 to vector<32x256xi32>
      %shift_left3A_1906 = arith.shli %xor3A_1902, %shift_left3A_1905 : vector<32x256xi32>
      %shift_right_logical3A_1907 = arith.constant 8 : i32
      %shift_right_logical3A_1908 = vector.broadcast %shift_right_logical3A_1907 : i32 to vector<32x256xi32>
      %shift_right_logical3A_1909 = arith.shrui %xor3A_1902, %shift_right_logical3A_1908 : vector<32x256xi32>
      %or3A_1910 = arith.ori %shift_left3A_1906, %shift_right_logical3A_1909 : vector<32x256xi32>
      %xor3A_1911 = arith.xori %or3A_1910, %add3A_1903 : vector<32x256xi32>
      %add3A_1912 = arith.constant 42 : i32
      %add3A_1913 = vector.broadcast %add3A_1912 : i32 to vector<32x256xi32>
      %add3A_1914 = arith.addi %add3A_1903, %add3A_1913 : vector<32x256xi32>
      %add3A_1915 = arith.constant 466689012 : i32
      %add3A_1916 = vector.broadcast %add3A_1915 : i32 to vector<32x256xi32>
      %add3A_1917 = arith.addi %xor3A_1911, %add3A_1916 : vector<32x256xi32>
      %add3A_1918 = arith.addi %add3A_1914, %add3A_1917 : vector<32x256xi32>
      %shift_left3A_1919 = arith.constant 13 : i32
      %shift_left3A_1920 = vector.broadcast %shift_left3A_1919 : i32 to vector<32x256xi32>
      %shift_left3A_1921 = arith.shli %add3A_1917, %shift_left3A_1920 : vector<32x256xi32>
      %shift_right_logical3A_1922 = arith.constant 19 : i32
      %shift_right_logical3A_1923 = vector.broadcast %shift_right_logical3A_1922 : i32 to vector<32x256xi32>
      %shift_right_logical3A_1924 = arith.shrui %add3A_1917, %shift_right_logical3A_1923 : vector<32x256xi32>
      %or3A_1925 = arith.ori %shift_left3A_1921, %shift_right_logical3A_1924 : vector<32x256xi32>
      %xor3A_1926 = arith.xori %or3A_1925, %add3A_1918 : vector<32x256xi32>
      %add3A_1927 = arith.addi %add3A_1918, %xor3A_1926 : vector<32x256xi32>
      %shift_left3A_1928 = arith.constant 15 : i32
      %shift_left3A_1929 = vector.broadcast %shift_left3A_1928 : i32 to vector<32x256xi32>
      %shift_left3A_1930 = arith.shli %xor3A_1926, %shift_left3A_1929 : vector<32x256xi32>
      %shift_right_logical3A_1931 = arith.constant 17 : i32
      %shift_right_logical3A_1932 = vector.broadcast %shift_right_logical3A_1931 : i32 to vector<32x256xi32>
      %shift_right_logical3A_1933 = arith.shrui %xor3A_1926, %shift_right_logical3A_1932 : vector<32x256xi32>
      %or3A_1934 = arith.ori %shift_left3A_1930, %shift_right_logical3A_1933 : vector<32x256xi32>
      %xor3A_1935 = arith.xori %or3A_1934, %add3A_1927 : vector<32x256xi32>
      %add3A_1936 = arith.addi %add3A_1927, %xor3A_1935 : vector<32x256xi32>
      %shift_left3A_1937 = arith.constant 26 : i32
      %shift_left3A_1938 = vector.broadcast %shift_left3A_1937 : i32 to vector<32x256xi32>
      %shift_left3A_1939 = arith.shli %xor3A_1935, %shift_left3A_1938 : vector<32x256xi32>
      %shift_right_logical3A_1940 = arith.constant 6 : i32
      %shift_right_logical3A_1941 = vector.broadcast %shift_right_logical3A_1940 : i32 to vector<32x256xi32>
      %shift_right_logical3A_1942 = arith.shrui %xor3A_1935, %shift_right_logical3A_1941 : vector<32x256xi32>
      %or3A_1943 = arith.ori %shift_left3A_1939, %shift_right_logical3A_1942 : vector<32x256xi32>
      %xor3A_1944 = arith.xori %or3A_1943, %add3A_1936 : vector<32x256xi32>
      %add3A_1945 = arith.addi %add3A_1936, %xor3A_1944 : vector<32x256xi32>
      %shift_left3A_1946 = arith.constant 6 : i32
      %shift_left3A_1947 = vector.broadcast %shift_left3A_1946 : i32 to vector<32x256xi32>
      %shift_left3A_1948 = arith.shli %xor3A_1944, %shift_left3A_1947 : vector<32x256xi32>
      %shift_right_logical3A_1949 = arith.constant 26 : i32
      %shift_right_logical3A_1950 = vector.broadcast %shift_right_logical3A_1949 : i32 to vector<32x256xi32>
      %shift_right_logical3A_1951 = arith.shrui %xor3A_1944, %shift_right_logical3A_1950 : vector<32x256xi32>
      %or3A_1952 = arith.ori %shift_left3A_1948, %shift_right_logical3A_1951 : vector<32x256xi32>
      %xor3A_1953 = arith.xori %or3A_1952, %add3A_1945 : vector<32x256xi32>
      %add3A_1954 = arith.constant 466689008 : i32
      %add3A_1955 = vector.broadcast %add3A_1954 : i32 to vector<32x256xi32>
      %add3A_1956 = arith.addi %add3A_1945, %add3A_1955 : vector<32x256xi32>
      %add3A_1957 = arith.constant 5 : i32
      %add3A_1958 = vector.broadcast %add3A_1957 : i32 to vector<32x256xi32>
      %add3A_1959 = arith.addi %xor3A_1953, %add3A_1958 : vector<32x256xi32>
      %xor3A_1960 = arith.xori %add3A_1956, %add3A_1959 : vector<32x256xi32>
      %shift_right_logical3A_1961 = arith.constant 9 : i32
      %shift_right_logical3A_1962 = vector.broadcast %shift_right_logical3A_1961 : i32 to vector<32x256xi32>
      %shift_right_logical3A_1963 = arith.shrui %xor3A_1960, %shift_right_logical3A_1962 : vector<32x256xi32>
      %or3A_1964 = arith.constant 1065353216 : i32
      %or3A_1965 = vector.broadcast %or3A_1964 : i32 to vector<32x256xi32>
      %or3A_1966 = arith.ori %shift_right_logical3A_1963, %or3A_1965 : vector<32x256xi32>
      %bitcast_convert_type3A_1967 = tpu.bitcast %or3A_1966 : vector<32x256xi32> -> vector<32x256xf32>
      %sub3A_1968 = arith.constant 1.000000e+00 : f32
      %sub3A_1969 = vector.broadcast %sub3A_1968 : f32 to vector<32x256xf32>
      %sub3A_1970 = arith.subf %bitcast_convert_type3A_1967, %sub3A_1969 : vector<32x256xf32>
      %log3A_1971 = math.log %sub3A_1970 : vector<32x256xf32>
      %log3A_1972 = arith.constant 2.000000e+00 : f32
      %log3A_1973 = math.log %log3A_1972 : f32
      %div3A_1974 = vector.broadcast %log3A_1973 : f32 to vector<32x256xf32>
      %div3A_1975 = arith.divf %log3A_1971, %div3A_1974 : vector<32x256xf32>
      %get3A_1976 = arith.index_cast %add3A_1741 : i32 to index
      %get3A_1977 = arith.constant 0 : index
      %get3A_1978 = vector.load %arg1[%get3A_1976, %get3A_1977] : memref<392x256xf32, #tpu.memory_space<vmem>>, vector<1x256xf32>
      %get3A_1979 = vector.shape_cast %get3A_1978 : vector<1x256xf32> to vector<256xf32>
      %broadcast_in_dim3A_1980 = vector.shape_cast %get3A_1979 : vector<256xf32> to vector<1x256xf32>
      %mul3A_1981 = vector.broadcast %broadcast_in_dim3A_1980 : vector<1x256xf32> to vector<32x256xf32>
      %mul3A_1982 = arith.mulf %div3A_1975, %mul3A_1981 : vector<32x256xf32>
      %lt3A_1983 = arith.cmpf olt, %mul3A_512, %mul3A_267 : vector<32x256xf32>
      %select_n3A_1984 = arith.select %lt3A_1983, %mul3A_512, %mul3A_267 : vector<32x256xi1>, vector<32x256xf32>
      %select_n3A_1985 = arith.select %lt3A_1983, %add3A_275, %add3A_39 : vector<32x256xi1>, vector<32x256xi32>
      %lt3A_1986 = arith.cmpf olt, %mul3A_1002, %mul3A_757 : vector<32x256xf32>
      %select_n3A_1987 = arith.select %lt3A_1986, %mul3A_1002, %mul3A_757 : vector<32x256xi1>, vector<32x256xf32>
      %select_n3A_1988 = arith.select %lt3A_1986, %add3A_765, %add3A_520 : vector<32x256xi1>, vector<32x256xi32>
      %lt3A_1989 = arith.cmpf olt, %mul3A_1492, %mul3A_1247 : vector<32x256xf32>
      %select_n3A_1990 = arith.select %lt3A_1989, %mul3A_1492, %mul3A_1247 : vector<32x256xi1>, vector<32x256xf32>
      %select_n3A_1991 = arith.select %lt3A_1989, %add3A_1255, %add3A_1010 : vector<32x256xi1>, vector<32x256xi32>
      %lt3A_1992 = arith.cmpf olt, %mul3A_1982, %mul3A_1737 : vector<32x256xf32>
      %select_n3A_1993 = arith.select %lt3A_1992, %mul3A_1982, %mul3A_1737 : vector<32x256xi1>, vector<32x256xf32>
      %select_n3A_1994 = arith.select %lt3A_1992, %add3A_1745, %add3A_1500 : vector<32x256xi1>, vector<32x256xi32>
      %lt3A_1995 = arith.cmpf olt, %select_n3A_1987, %select_n3A_1984 : vector<32x256xf32>
      %select_n3A_1996 = arith.select %lt3A_1995, %select_n3A_1987, %select_n3A_1984 : vector<32x256xi1>, vector<32x256xf32>
      %select_n3A_1997 = arith.select %lt3A_1995, %select_n3A_1988, %select_n3A_1985 : vector<32x256xi1>, vector<32x256xi32>
      %lt3A_1998 = arith.cmpf olt, %select_n3A_1993, %select_n3A_1990 : vector<32x256xf32>
      %select_n3A_1999 = arith.select %lt3A_1998, %select_n3A_1993, %select_n3A_1990 : vector<32x256xi1>, vector<32x256xf32>
      %select_n3A_2000 = arith.select %lt3A_1998, %select_n3A_1994, %select_n3A_1991 : vector<32x256xi1>, vector<32x256xi32>
      %lt3A_2001 = arith.cmpf olt, %select_n3A_1999, %select_n3A_1996 : vector<32x256xf32>
      %select_n3A_2002 = arith.select %lt3A_2001, %select_n3A_1999, %select_n3A_1996 : vector<32x256xi1>, vector<32x256xf32>
      %select_n3A_2003 = arith.select %lt3A_2001, %select_n3A_2000, %select_n3A_1997 : vector<32x256xi1>, vector<32x256xi32>
      %lt3A_2004 = arith.cmpf olt, %select_n3A_2002, %scan3A_30 : vector<32x256xf32>
      %select_n3A_2005 = arith.select %lt3A_2004, %select_n3A_2002, %scan3A_30 : vector<32x256xi1>, vector<32x256xf32>
      %select_n3A_2006 = arith.select %lt3A_2004, %select_n3A_2003, %scan3A_31 : vector<32x256xi1>, vector<32x256xi32>
      scf.yield %select_n3A_2005, %select_n3A_2006 : vector<32x256xf32>, vector<32x256xi32>
    }
    %scan3A_17 = arith.constant 49 : i32
    %reduce_min3A = arith.constant dense<0x7F800000> : vector<32xf32>
    %reduce_min3A_18 = vector.multi_reduction <minimumf>, %scan3A_16#0, %reduce_min3A [1] : vector<32x256xf32> to vector<32xf32>
    %broadcast_in_dim3A_19 = vector.shape_cast %reduce_min3A_18 : vector<32xf32> to vector<32x1xf32>
    %eq3A = vector.broadcast %broadcast_in_dim3A_19 : vector<32x1xf32> to vector<32x256xf32>
    %eq3A_20 = arith.cmpf oeq, %scan3A_16#0, %eq3A : vector<32x256xf32>
    %jit3A = arith.constant 2147483647 : i32
    %broadcast_in_dim3A_21 = vector.broadcast %jit3A : i32 to vector<32x256xi32>
    %select_n3A = arith.select %eq3A_20, %scan3A_16#1, %broadcast_in_dim3A_21 : vector<32x256xi1>, vector<32x256xi32>
    %reduce_min3A_22 = arith.constant dense<2147483647> : vector<32xi32>
    %reduce_min3A_23 = vector.multi_reduction <minsi>, %select_n3A, %reduce_min3A_22 [1] : vector<32x256xi32> to vector<32xi32>
    %swap3A = arith.constant 0 : index
    %swap3A_24 = arith.constant 0 : index
    %swap3A_25 = arith.constant 0 : index
    %swap3A_26 = vector.load %arg2[%swap3A, %swap3A_24, %swap3A_25] : memref<1x1x32xi32, #tpu.memory_space<vmem>>, vector<1x1x32xi32>
    %swap3A_27 = vector.shape_cast %swap3A_26 : vector<1x1x32xi32> to vector<32xi32>
    %swap3A_28 = vector.shape_cast %reduce_min3A_23 : vector<32xi32> to vector<1x1x32xi32>
    tpu.vector_store %arg2[%swap3A, %swap3A_24, %swap3A_25], %swap3A_28 {strides = array<i32>} : memref<1x1x32xi32, #tpu.memory_space<vmem>>, vector<1x1x32xi32>,
    return
  }
  func.func @transform_0(%arg0: i32) -> (i32, i32) {
    %c0_i32 = arith.constant 0 : i32
    %c0_i32_0 = arith.constant 0 : i32
    %c0_i32_1 = arith.constant 0 : i32
    return %c0_i32, %c0_i32_0 : i32, i32
  }
  func.func @transform_1(%arg0: i32) -> (i32, i32, i32) {
    %c0_i32 = arith.constant 0 : i32
    %c0_i32_0 = arith.constant 0 : i32
    %c0_i32_1 = arith.constant 0 : i32
    return %arg0, %c0_i32, %c0_i32_0 : i32, i32, i32
  }
}

module attributes {stable_mosaic.version = 14 : i64} {
  func.func @body(%arg0: i32, %arg1: memref<32x300x128xf32, #tpu.memory_space<vmem>>, %arg2: memref<32x128xf32, #tpu.memory_space<vmem>>, %arg3: memref<32x50xi32, #tpu.memory_space<vmem>>, %arg4: memref<1xf32, #tpu.memory_space<smem>>, %arg5: memref<2xf32, #tpu.memory_space<smem>>) attributes {dimension_semantics = [#tpu.dimension_semantics<arbitrary>], iteration_bounds = array<i64: 128>, scalar_prefetch = 0 : i64, scratch_operands = 1 : i64, tpu.core_type = #tpu.core_type<tc>, window_params = [{transform_indices = @transform_0, window_bounds = array<i64: 32, 300, 128>}, {transform_indices = @transform_1, window_bounds = array<i64: 32, 128>}, {transform_indices = @transform_2, window_bounds = array<i64: 32, 50>}, {transform_indices = @transform_3, window_bounds = array<i64: 1>}]} {
    %get3A = arith.constant 0 : index
    %get3A_0 = arith.constant 0 : index
    %get3A_1 = arith.constant 0 : index
    %get3A_2 = vector.load %arg1[%get3A, %get3A_0, %get3A_1] : memref<32x300x128xf32, #tpu.memory_space<vmem>>, vector<32x300x128xf32>
    %get3A_3 = arith.constant 0 : index
    %get3A_4 = arith.constant 0 : index
    %get3A_5 = vector.load %arg2[%get3A_3, %get3A_4] : memref<32x128xf32, #tpu.memory_space<vmem>>, vector<32x128xf32>
    %broadcast_in_dim3A = vector.shape_cast %get3A_5 : vector<32x128xf32> to vector<32x1x128xf32>
    %mul3A = vector.broadcast %broadcast_in_dim3A : vector<32x1x128xf32> to vector<32x300x128xf32>
    %mul3A_6 = arith.mulf %get3A_2, %mul3A : vector<32x300x128xf32>
    %reduce_sum3A = arith.constant dense<0.000000e+00> : vector<32x300xf32>
    %reduce_sum3A_7 = vector.multi_reduction <add>, %mul3A_6, %reduce_sum3A [2] : vector<32x300x128xf32> to vector<32x300xf32>
    %logistic3A = arith.negf %reduce_sum3A_7 : vector<32x300xf32>
    %logistic3A_8 = math.exp %logistic3A : vector<32x300xf32>
    %logistic3A_9 = arith.constant 1.000000e+00 : f32
    %logistic3A_10 = vector.broadcast %logistic3A_9 : f32 to vector<32x300xf32>
    %logistic3A_11 = arith.addf %logistic3A_10, %logistic3A_8 : vector<32x300xf32>
    %logistic3A_12 = arith.divf %logistic3A_10, %logistic3A_11 : vector<32x300xf32>
    %add3A = arith.constant 5.000000e-01 : f32
    %add3A_13 = vector.broadcast %add3A : f32 to vector<32x300xf32>
    %add3A_14 = arith.addf %logistic3A_12, %add3A_13 : vector<32x300xf32>
    %log3A = math.log %add3A_14 : vector<32x300xf32>
    %neg3A = arith.constant 0.000000e+00 : f32
    %neg3A_15 = vector.broadcast %neg3A : f32 to vector<32x300xf32>
    %neg3A_16 = arith.subf %neg3A_15, %log3A : vector<32x300xf32>
    %reduce_sum3A_17 = vector.shape_cast %neg3A_16 : vector<32x300xf32> to vector<1x32x300xf32>
    %reduce_sum3A_18 = arith.constant dense<0.000000e+00> : vector<1xf32>
    %reduce_sum3A_19 = vector.multi_reduction <add>, %reduce_sum3A_17, %reduce_sum3A_18 [1, 2] : vector<1x32x300xf32> to vector<1xf32>
    %reduce_sum3A_20 = vector.shape_cast %reduce_sum3A_19 : vector<1xf32> to vector<1x1x1xf32>
    %reduce_sum3A_21 = vector.extract %reduce_sum3A_20[0, 0, 0] : f32 from vector<1x1x1xf32>
    %get3A_22 = arith.constant 0 : index
    %get3A_23 = arith.constant 0 : index
    %get3A_24 = vector.load %arg3[%get3A_22, %get3A_23] : memref<32x50xi32, #tpu.memory_space<vmem>>, vector<32x50xi32>
    %ne3A = arith.constant 0 : i32
    %ne3A_25 = vector.broadcast %ne3A : i32 to vector<32x50xi32>
    %ne3A_26 = arith.cmpi ne, %get3A_24, %ne3A_25 : vector<32x50xi32>
    %convert_element_type3A = arith.extui %ne3A_26 : vector<32x50xi1> to vector<32x50xi32>
    %convert_element_type3A_27 = arith.sitofp %convert_element_type3A : vector<32x50xi32> to vector<32x50xf32>
    %reduce_sum3A_28 = vector.shape_cast %convert_element_type3A_27 : vector<32x50xf32> to vector<1x32x50xf32>
    %reduce_sum3A_29 = arith.constant dense<0.000000e+00> : vector<1xf32>
    %reduce_sum3A_30 = vector.multi_reduction <add>, %reduce_sum3A_28, %reduce_sum3A_29 [1, 2] : vector<1x32x50xf32> to vector<1xf32>
    %reduce_sum3A_31 = vector.shape_cast %reduce_sum3A_30 : vector<1xf32> to vector<1x1x1xf32>
    %reduce_sum3A_32 = vector.extract %reduce_sum3A_31[0, 0, 0] : f32 from vector<1x1x1xf32>
    %eq3A = arith.constant 0 : i32
    %eq3A_33 = arith.cmpi eq, %arg0, %eq3A : i32
    %convert_element_type3A_34 = arith.extui %eq3A_33 : i1 to i32
    %cond3A = arith.constant 0 : i32
    %cond3A_35 = arith.cmpi ne, %convert_element_type3A_34, %cond3A : i32
    scf.if %cond3A_35 {
      %swap3A = arith.constant 0 : index
      %swap3A_46 = memref.load %arg5[%swap3A] : memref<2xf32, #tpu.memory_space<smem>>
      memref.store %reduce_sum3A_21, %arg5[%swap3A] : memref<2xf32, #tpu.memory_space<smem>>
      %swap3A_47 = arith.constant 1 : index
      %swap3A_48 = memref.load %arg5[%swap3A_47] : memref<2xf32, #tpu.memory_space<smem>>
      memref.store %reduce_sum3A_32, %arg5[%swap3A_47] : memref<2xf32, #tpu.memory_space<smem>>
    } else {
    }
    %ne3A_36 = arith.constant 0 : i32
    %ne3A_37 = arith.cmpi ne, %arg0, %ne3A_36 : i32
    %convert_element_type3A_38 = arith.extui %ne3A_37 : i1 to i32
    %cond3A_39 = arith.constant 0 : i32
    %cond3A_40 = arith.cmpi ne, %convert_element_type3A_38, %cond3A_39 : i32
    scf.if %cond3A_40 {
      %get3A_46 = arith.constant 0 : index
      %get3A_47 = memref.load %arg5[%get3A_46] : memref<2xf32, #tpu.memory_space<smem>>
      %add3A_48 = arith.addf %get3A_47, %reduce_sum3A_21 : f32
      %swap3A = arith.constant 0 : index
      %swap3A_49 = memref.load %arg5[%swap3A] : memref<2xf32, #tpu.memory_space<smem>>
      memref.store %add3A_48, %arg5[%swap3A] : memref<2xf32, #tpu.memory_space<smem>>
      %get3A_50 = arith.constant 1 : index
      %get3A_51 = memref.load %arg5[%get3A_50] : memref<2xf32, #tpu.memory_space<smem>>
      %add3A_52 = arith.addf %get3A_51, %reduce_sum3A_32 : f32
      %swap3A_53 = arith.constant 1 : index
      %swap3A_54 = memref.load %arg5[%swap3A_53] : memref<2xf32, #tpu.memory_space<smem>>
      memref.store %add3A_52, %arg5[%swap3A_53] : memref<2xf32, #tpu.memory_space<smem>>
    } else {
    }
    %eq3A_41 = arith.constant 127 : i32
    %eq3A_42 = arith.cmpi eq, %arg0, %eq3A_41 : i32
    %convert_element_type3A_43 = arith.extui %eq3A_42 : i1 to i32
    %cond3A_44 = arith.constant 0 : i32
    %cond3A_45 = arith.cmpi ne, %convert_element_type3A_43, %cond3A_44 : i32
    scf.if %cond3A_45 {
      %get3A_46 = arith.constant 0 : index
      %get3A_47 = memref.load %arg5[%get3A_46] : memref<2xf32, #tpu.memory_space<smem>>
      %get3A_48 = arith.constant 1 : index
      %get3A_49 = memref.load %arg5[%get3A_48] : memref<2xf32, #tpu.memory_space<smem>>
      %mul3A_50 = arith.constant 6.000000e+00 : f32
      %mul3A_51 = arith.mulf %mul3A_50, %get3A_49 : f32
      %div3A = arith.divf %get3A_47, %mul3A_51 : f32
      %swap3A = arith.constant 0 : index
      %swap3A_52 = memref.load %arg4[%swap3A] : memref<1xf32, #tpu.memory_space<smem>>
      memref.store %div3A, %arg4[%swap3A] : memref<1xf32, #tpu.memory_space<smem>>
    } else {
    }
    return
  }
  func.func @transform_0(%arg0: i32) -> (i32, i32, i32) {
    %c0_i32 = arith.constant 0 : i32
    %c0_i32_0 = arith.constant 0 : i32
    %c0_i32_1 = arith.constant 0 : i32
    return %arg0, %c0_i32, %c0_i32_0 : i32, i32, i32
  }
  func.func @transform_1(%arg0: i32) -> (i32, i32) {
    %c0_i32 = arith.constant 0 : i32
    %c0_i32_0 = arith.constant 0 : i32
    return %arg0, %c0_i32 : i32, i32
  }
  func.func @transform_2(%arg0: i32) -> (i32, i32) {
    %c0_i32 = arith.constant 0 : i32
    %c0_i32_0 = arith.constant 0 : i32
    return %arg0, %c0_i32 : i32, i32
  }
  func.func @transform_3(%arg0: i32) -> i32 {
    %c0_i32 = arith.constant 0 : i32
    %c0_i32_0 = arith.constant 0 : i32
    return %c0_i32 : i32
  }
}

</mosaic_0001>

<sc_bundles>
// kernel: kernel.5.cloned.1.call-start
scs
__scs_entry_jumppad:
0x0: {  	(pc) =	sbr.rel $0x88, $3  }
0x1: {  	(tag) =	ssettag $0x0;
	lr =	simm.s32 $0x1  }
0x2: {  	[smem:$0x3F9C] =	sst lr;
	_ =	strace $0xD0000000  }
0x3: {  	_ = 	snop  }
0x4: {  	_ = 	snop  }
0x5: {  	_ = 	snop  }
0x6: {  	_ = 	snop  }
0x7: {  	_ = 	snop  }
__scs_overlays_trampoline_lowered:
0x8: {  	[smem:$0x3FAB] =	sst s0  }
0x9: {  	[smem:$0x3FAC] =	sst s1  }
0xa: {  	[smem:$0x3FAD] =	sst s2  }
0xb: {  	[smem:$0x3FAE] =	sst s3  }
0xc: {  	[smem:$0x3FAF] =	sst s4  }
0xd: {  	[smem:$0x3FB0] =	sst s5  }
0xe: {  	[smem:$0x3FB1] =	sst s6  }
0xf: {  	[smem:$0x3FB2] =	sst s7  }
0x10: {  	[smem:$0x3FB3] =	sst s8  }
0x11: {  	[smem:$0x3FB4] =	sst s9;
	s0 =	simm.s32 @!p0 $0x0  }
0x12: {  	s1 =	sld [smem:$0x3F9A];
	s0 =	simm.s32 @p0 $0x1  }
0x13: {  	[smem:$0x3FB5] =	sst s0;
	s0 =	simm.s32 @!p1 $0x0  }
0x14: {  	s2 =	sld [smem:$0x3F99];
	s0 =	simm.s32 @p1 $0x1  }
0x15: {  	[smem:$0x3FB6] =	sst s0;
	s0 =	simm.s32 @!p2 $0x0  }
0x16: {  	s3 =	sld [smem:$0x3FDB];
	s0 =	simm.s32 @p2 $0x1  }
0x17: {  	s4 =	simm.s32 $0x1BF5;
	[smem:$0x3FB8] =	sst s0  }
0x18: {  	s0 =	sld [smem:$0x3F9B];
	_ =	swait.ge [sflag:s4], $0x0  }
0x19: {  	s7 =	sld [smem:$0x3F9C]  }
0x1a: {  	s8 =	sadd.s32 $0xFFFFE003, lr  }
0x1b: {  	s9 =	sadd.s32 $0xFFFFFEF7, lr;
	s5 =	simm.s32 $0xFFFFFFFF;
	p2 =	slt.u32 s8, $0xFFFFF086  }
0x1c: {  	p1 =	slt.u32 s9, $0xF7A;
	s5 =	simm.s32 @!p2 $0x0  }
0x1d: {  	s5 =	simm.s32 @p1 $0x1;
	p0 =	seq.s32 s7, s2  }
0x1e: {  	s7 =	smul.u32 @!p0 $0xF7A, s2;
	p2 =	seq.s32 @!p0 s5, $0x0  }
0x1f: {  	s9 =	smul.u32 $0xF7A, s1;
	s8 =	simm.s32 @!p0 $0x1BF5;
	p2 =	por !p2, p0  }
0x20: {  	[sflag:s8] =	ssyncset.s32 @!p0 $0xFFFFF086;
	s6 =	sadd.s32 @!p0 s3, s7;
	s7 =	simm.s32 @!p0 $0x108  }
0x21: {  	s3 =	sadd.s32 s3, s9;
	s6 =	sadd.s32 @!p0 $0x88, s6;
	s7 =	simm.s32 @p2 $0x1082  }
0x22: {  	[simem:s7], [sflag:s8] =	dma.local @!p0 [hbm:s6], $0xF7A  }
0x23: {  	s9 =	sor.u32 $0xD0000000, s2;
	s6 =	simm.s32 $0x108;
	_ =	swait.ge @!p0 [sflag:s8], $0x0  }
0x24: {  	s3 =	sadd.s32 $0x88, s3;
	s6 =	simm.s32 @!p1 $0x1082;
	[sflag:s4] =	ssyncset.s32 $0xFFFFF086  }
0x25: {  	[simem:s6], [sflag:s4] =	dma.local [hbm:s3], $0xF7A  }
0x26: {  	[smem:$0x3F9C] =	sst s1;
	(tag) =	ssettag s2;
	_ =	strace s9  }
0x27: {  	s1 =	sld [smem:$0x3FAC]  }
0x28: {  	s2 =	sld [smem:$0x3FAD]  }
0x29: {  	s4 =	sld [smem:$0x3FAF]  }
0x2a: {  	p0 =	seq.s32 s5, $0x0;
	s5 =	sld [smem:$0x3FB0]  }
0x2b: {  	s6 =	sld [smem:$0x3FB1]  }
0x2c: {  	s7 =	sld [smem:$0x3FB2]  }
0x2d: {  	s3 =	simm.s32 $0x108;
	s8 =	sld [smem:$0x3FB3]  }
0x2e: {  	s3 =	simm.s32 @!p0 $0x1082;
	s9 =	sld [smem:$0x3FB4]  }
0x2f: {  	lr =	sadd.s32 s0, s3;
	s0 =	sld [smem:$0x3FAB]  }
0x30: {  	s3 =	sld [smem:$0x3FAE]  }
0x31: {  	[smem:$0x3FB7] =	sst s10  }
0x32: {  	s10 =	sld [smem:$0x3FB5];
	_ =	sdelay $0x3  }
0x33: {  	p0 =	seq.s32 s10, $0x1;
	s10 =	sld [smem:$0x3FB7];
	_ =	sdelay $0x3  }
0x34: {  	[smem:$0x3FB7] =	sst s10  }
0x35: {  	s10 =	sld [smem:$0x3FB6];
	_ =	sdelay $0x3  }
0x36: {  	p1 =	seq.s32 s10, $0x1;
	s10 =	sld [smem:$0x3FB7];
	_ =	sdelay $0x3  }
0x37: {  	[smem:$0x3FB7] =	sst s10  }
0x38: {  	s10 =	sld [smem:$0x3FB8]  }
0x39: {  	_ = 	snop;
	(pc) =	sbr.ind lr, $3  }
0x3a: {  	_ = 	snop  }
0x3b: {  	_ = 	snop  }
0x3c: {  	p2 =	seq.s32 s10, $0x1;
	s10 =	sld [smem:$0x3FB7]  }
0x3d: {  	_ =	shalt  }
0x3e: {  	_ =	shalt  }
0x3f: {  	_ =	shalt  }
0x40: {  	_ =	shalt  }
0x41: {  	_ =	shalt  }
0x42: {  	_ =	shalt  }
0x43: {  	_ =	shalt  }
0x44: {  	_ =	shalt  }
0x45: {  	_ =	shalt  }
0x46: {  	_ =	shalt  }
0x47: {  	_ =	shalt  }
0x48: {  	_ =	shalt  }
0x49: {  	_ =	shalt  }
0x4a: {  	_ =	shalt  }
0x4b: {  	_ =	shalt  }
0x4c: {  	_ =	shalt  }
0x4d: {  	_ =	shalt  }
0x4e: {  	_ =	shalt  }
0x4f: {  	_ =	shalt  }
0x50: {  	_ =	shalt  }
0x51: {  	_ =	shalt  }
0x52: {  	_ =	shalt  }
0x53: {  	_ =	shalt  }
0x54: {  	_ =	shalt  }
0x55: {  	_ =	shalt  }
0x56: {  	_ =	shalt  }
0x57: {  	_ =	shalt  }
0x58: {  	_ =	shalt  }
0x59: {  	_ =	shalt  }
0x5a: {  	_ =	shalt  }
0x5b: {  	_ =	shalt  }
0x5c: {  	_ =	shalt  }
0x5d: {  	_ =	shalt  }
0x5e: {  	_ =	shalt  }
0x5f: {  	_ =	shalt  }
0x60: {  	_ =	shalt  }
0x61: {  	_ =	shalt  }
0x62: {  	_ =	shalt  }
0x63: {  	_ =	shalt  }
0x64: {  	_ =	shalt  }
0x65: {  	_ =	shalt  }
0x66: {  	_ =	shalt  }
0x67: {  	_ =	shalt  }
0x68: {  	_ =	shalt  }
0x69: {  	_ =	shalt  }
0x6a: {  	_ =	shalt  }
0x6b: {  	_ =	shalt  }
0x6c: {  	_ =	shalt  }
0x6d: {  	_ =	shalt  }
0x6e: {  	_ =	shalt  }
0x6f: {  	_ =	shalt  }
0x70: {  	_ =	shalt  }
0x71: {  	_ =	shalt  }
0x72: {  	_ =	shalt  }
0x73: {  	_ =	shalt  }
0x74: {  	_ =	shalt  }
0x75: {  	_ =	shalt  }
0x76: {  	_ =	shalt  }
0x77: {  	_ =	shalt  }
0x78: {  	_ =	shalt  }
0x79: {  	_ =	shalt  }
0x7a: {  	_ =	shalt  }
0x7b: {  	_ =	shalt  }
0x7c: {  	_ =	shalt  }
0x7d: {  	_ =	shalt  }
0x7e: {  	_ =	shalt  }
0x7f: {  	_ =	shalt  }
0x80: {  	_ =	shalt  }
0x81: {  	_ =	shalt  }
0x82: {  	_ =	shalt  }
0x83: {  	_ =	shalt  }
0x84: {  	_ =	shalt  }
0x85: {  	_ =	shalt  }
0x86: {  	_ =	shalt  }
0x87: {  	_ =	shalt  }
.Lfunc_end0:
.L_simem_size_0:
called_computation_lowered:
.L_overlay_start_0:
0x88: {  	s2 =	sld [smem:$0x3FD9]  }
0x89: {  	s3 =	sld [smem:$0x3FFE];
	_ =	sdelay $0x1  }
0x8a: {  	s1 =	srdreg.scid  }
0x8b: {  	s0 =	sand.u32 $0x1, s1  }
0x8c: {  	s17 =	sshll.u32 s0, $0xA;
	s2 =	sadd.s32 s3, s2  }
0x8d: {  	s2 =	sadd.s32 s2, s17  }
0x8e: {  	[smem:$0x3FC3] =	sst s2  }
0x8f: {  	_ = 	snop  }
0x90: {  	s2 =	sld [smem:$0x3FC9];
	(tm) =	ssettm $0x1  }
0x91: {  	s18 =	sld [smem:$0x3FFB];
	_ =	sdelay $0x3  }
0x92: {  	_ =	strace s18  }
0x93: {  	s3 =	sld [smem:$0x3FFC];
	_ =	sdelay $0x3  }
0x94: {  	_ =	strace s3  }
0x95: {  	s3 =	sld [smem:$0x3FFD];
	_ =	sdelay $0x3  }
0x96: {  	_ =	strace s3  }
0x97: {  	_ =	strace $0x8FFFFFFF  }
0x98: {  	s19 =	sld [smem:$0x3FDB];
	_ =	sdelay $0x1  }
0x99: {  	s4 =	simm.s32 $_scs_section_size  }
0x9a: {  	s5 =	simm.s32 $_size__tile_overlayer_lowered;
	s6 =	simm.s32 $_tile_overlayer_lowered  }
0x9b: {  	s22 =	simm.s32 $0x1BFF;
	s21 =	sshll.u32 s6, $0x1;
	s3 =	sadd.s32 s4, s19  }
0x9c: {  	s7 =	simm.s32 $0x0;
	s20 =	sshll.u32 s5, $0x1;
	s5 =	sadd.s32 s21, s3  }
0x9d: {  	[timem:s7], [sflag:s22] =	dma.local [hbm:s5], s20  }
0x9e: {  	_ =	swait.ge [sflag:s22], s20  }
0x9f: {  	s4 =	ssub.s32 $0x0, s20;
	[sflag:s22] =	ssyncset.done $0x0  }
0xa0: {  	[sflag:s22] =	ssyncadd.s32 s4;
	_ =	sdelay $0x1  }
0xa1: {  	s23 =	simm.s32 $0x1B8B  }
0xa2: {  	_ =	swait.ge [sflag:s23], $0x1  }
0xa3: {  	[sflag:s23] =	ssyncset.done $0x0  }
0xa4: {  	s25 =	simm.s32 $0x1B8E;
	s24 =	sld [smem:$0x3FFE];
	[sflag:s23] =	ssyncadd.s32 $0xFFFFFFFF  }
0xa5: {  	s26 =	simm.s32 $execute0_lowered;
	[smem:$0x3FD2] =	sst s25  }
0xa6: {  	s5 =	sshll.u32 s26, $0x1;
	_ =	strace $0x80000046;
	[dreg:$0x1] =	wrdreg $0xFFFFFFFF  }
0xa7: {  	s28 =	simm.s32 $_size_execute0_lowered;
	s3 =	sadd.s32 s3, s5;
	[dreg:$0x0] =	wrdreg $0x0  }
0xa8: {  	s5 =	sshll.u32 s28, $0x1;
	[dreg:$0x2] =	wrdreg s3  }
0xa9: {  	[dreg:$0x3] =	wrdreg s5  }
0xaa: {  	[dreg:$0x4] =	wrdreg $0xC0  }
0xab: {  	_ =	task [dreg:s7], $0x5FFFF  }
0xac: {  	[dreg:$0x1] =	wrdreg $0xFFFFFFFF  }
0xad: {  	[dreg:$0x0] =	wrdreg $0x60  }
0xae: {  	[dreg:$0x2] =	wrdreg s24  }
0xaf: {  	[dreg:$0x3] =	wrdreg s2  }
0xb0: {  	[dreg:$0x4] =	wrdreg $0x9  }
0xb1: {  	_ =	task.clear_ibuf [dreg:s7], $0x5FFFF;
	_ =	strace $0x90000046  }
0xb2: {  	s29 =	simm.s32 $0x9;
	_ =	strace $0x80000048  }
0xb3: {  	_ =	swait.ge [sflag:s29], $0x1  }
0xb4: {  	[sflag:s29] =	ssyncadd.s32 $0xFFFFFFFF  }
0xb5: {  	_ =	strace $0x90000048  }
0xb6: {  	_ =	sfence  }
0xb7: {  	s30 =	sld [smem:$0x0];
	_ =	sdelay $0x2  }
0xb8: {  	s31 =	sshll.u32 s1, $0xD;
	s1 =	sshrl.u32 s1, $0x2  }
0xb9: {  	s3 =	sand.u32 $0x4000, s31;
	s1 =	sadd.s32 s1, s30  }
0xba: {  	s0 =	sor.u32 s3, s0;
	s1 =	sshll.u32 s1, $0x11  }
0xbb: {  	s0 =	sor.u32 s1, s0  }
0xbc: {  	s0 =	sadd.s32 $0x8F2B, s0  }
0xbd: {  	[sflag:s0] =	ssyncadd.remote.s32 $0x1  }
0xbe: {  	_ =	sfence.sel $0xFFFF  }
0xbf: {  	[dreg:$0x0] =	wrdreg $0xFFFFFFFF;
	(pc) =	sbr.abs _section_cstart, $3  }
0xc0: {  	[dreg:$0x1] =	wrdreg $0xFFFFFFFF  }
0xc1: {  	_ =	task.clear_ibuf [dreg:s7], $0x2FFFF;
	_ =	strace $0x9FFFFFFF  }
0xc2: {  	(tm) =	ssettm $0x7FFFFFFF  }
0xc3: {  	_ =	shalt  }
tec
execute0_lowered:
.L_overlay_start_1:
0x0: {  	(tag) =	ssettag $0x1  }
0x1: {  	s5 =	rddreg [dreg:$0x0];
	s1 =	srdreg.scid  }
0x2: {  	s0 =	stileid.u32;
	s6 =	rddreg [dreg:$0x1];
	s2 =	simm.s32 $0x0  }
0x3: {  	s7 =	sand.u32 $0x1, s1;
	s4 =	smul.u32 $0x12C00, s0;
	s1 =	rddreg [dreg:$0x2]  }
0x4: {  	[smem:$0x7FF] =	sst s2;
	s9 =	smul.u32 $0x12C000, s0  }
0x5: {  	s3 =	sadd.s32 $0x67E00, s5;
	s10 =	sshll.u32 s0, $0x1;
	s8 =	smul.u32 $0x9600, s7  }
0x6: {  	_ =	strace $0x80000047;
	s28 =	sor.u32 s7, s10;
	s12 =	ssub.s32 $0x2, s7  }
0x7: {  	s14 =	smul.u32 $0x96000, s7;
	s9 =	sadd.s32 s9, s5;
	s10 =	sshll.u32 s28, $0xB  }
0x8: {  	s13 =	sshrl.u32 s12, $0x1;
	s4 =	sadd.s32 s8, s4;
	s29 =	sadd.s32 s10, s5  }
0x9: {  	s30 =	ssub.s32 s12, s13;
	s31 =	sadd.s32 s14, s9;
	s10 =	simm.s32 $0x2  }
0xa: {  	s12 =	simm.s32 $0x1;
	s13 =	simm.s32 $0x0;
	s8 =	sshrl.u32 s4, $0x3  }
0xb: {  	s4 =	sadd.s32 $0x375200, s5;
	s11 =	sadd.s32 s8, s5;
	s8 =	sshll.u32 s28, $0x4  }
0xc: {  	s7 =	smax.u32 s30, $0x1;
	s5 =	sadd.s32 s6, s8;
	s6 =	sadd.s32 $0x12600, s29  }
0xd: {  	s8 =	sadd.s32 $0x4FBC00, s31;
	s9 =	sadd.s32 $0x42600, s11;
	s11 =	simm.s32 $0x80  }
.LBB2_1:
0xe: {  	s14 =	sadd.s32 $0x0, s9  }
0xf: {  	[tilespmem:s2], [sflag:$0x2] =	stream.linear.gather [hbm4b:s14+s2], $0x80, $0x38;
	[tilespmem:$0x4080] =	vst v63  }
0x10: {  	_ =	swait.ge [sflag:s10], $0x80  }
0x11: {  	[sflag:s10] =	ssyncset.done $0x0  }
0x12: {  	[sflag:s10] =	ssyncadd.s32 $0xFFFFFF80  }
0x13: {  	[tilespmem:s11], [sflag:$0x1] =	stream.indirect.gather [hbm4b:s3+s11], $0x80, s2, s11, $0xb8;
	[tilespmem:$0x4080] =	vst v63  }
0x14: {  	_ =	swait.ge [sflag:s12], $0x4000  }
0x15: {  	[sflag:s12] =	ssyncset.done $0x0  }
0x16: {  	[sflag:s12] =	ssyncadd.s32 $0xFFFFC000  }
0x17: {  	[hbm4b:s8+s2] =	stream.linear.scatter [tilespmem:s11], [sflag:$0x2], $0x4000, $0x38;
	[tilespmem:$0x4080] =	vst v63  }
0x18: {  	s15 =	simm.s32 $0x10;
	_ =	swait.ge [sflag:s10], $0x4000  }
0x19: {  	s16 =	simm.s32 $0x20;
	s14 =	sadd.s32 $0x800, s8;
	[sflag:s10] =	ssyncset.done $0x0  }
.LBB2_2:
0x1a: {  	s17 =	sadd.s32 s15, s9  }
0x1b: {  	[sflag:s10] =	ssyncadd.s32 $0xFFFFC000;
	s15 =	smov.u32 s16;
	s18 =	sadd.s32 $0x10, s16  }
0x1c: {  	[tilespmem:s2], [sflag:$0x2] =	stream.linear.gather [hbm4b:s17+s2], $0x80, $0x38;
	[tilespmem:$0x4080] =	vst v63  }
0x1d: {  	p0 =	sne.s32 s16, $0x12B0;
	_ =	swait.ge [sflag:s10], $0x80  }
0x1e: {  	[sflag:s10] =	ssyncset.done $0x0  }
0x1f: {  	[sflag:s10] =	ssyncadd.s32 $0xFFFFFF80  }
0x20: {  	[tilespmem:s11], [sflag:$0x1] =	stream.indirect.gather [hbm4b:s3+s11], $0x80, s2, s11, $0xb8;
	[tilespmem:$0x4080] =	vst v63  }
0x21: {  	_ =	swait.ge [sflag:s12], $0x4000  }
.Ltmp0:
0x22: {  	[sflag:s12] =	ssyncset.done $0x0;
	(pc) =	sbr.rel @p0 .LBB2_2-.Ltmp0, $4  }
0x23: {  	[sflag:s12] =	ssyncadd.s32 $0xFFFFC000  }
0x24: {  	[hbm4b:s14+s2] =	stream.linear.scatter [tilespmem:s11], [sflag:$0x2], $0x4000, $0x38;
	[tilespmem:$0x4080] =	vst v63  }
0x25: {  	_ =	swait.ge [sflag:s10], $0x4000  }
0x26: {  	s16 =	smov.u32 s18;
	s14 =	sadd.s32 $0x800, s14;
	[sflag:s10] =	ssyncset.done $0x0  }
0x27: {  	s15 =	sadd.s32 s15, s9;
	[sflag:s10] =	ssyncadd.s32 $0xFFFFC000  }
0x28: {  	[tilespmem:s2], [sflag:$0x2] =	stream.linear.gather [hbm4b:s15+s2], $0x80, $0x38;
	[tilespmem:$0x4080] =	vst v63  }
0x29: {  	_ =	swait.ge [sflag:s10], $0x80  }
0x2a: {  	[sflag:s10] =	ssyncset.done $0x0  }
0x2b: {  	[sflag:s10] =	ssyncadd.s32 $0xFFFFFF80  }
0x2c: {  	[tilespmem:s11], [sflag:$0x1] =	stream.indirect.gather [hbm4b:s3+s11], $0x80, s2, s11, $0xb8;
	[tilespmem:$0x4080] =	vst v63  }
0x2d: {  	_ =	swait.ge [sflag:s12], $0x4000  }
0x2e: {  	[sflag:s12] =	ssyncset.done $0x0  }
0x2f: {  	[sflag:s12] =	ssyncadd.s32 $0xFFFFC000  }
0x30: {  	[hbm4b:s14+s2] =	stream.linear.scatter [tilespmem:s11], [sflag:$0x2], $0x4000, $0x38;
	[tilespmem:$0x4080] =	vst v63  }
0x31: {  	_ =	swait.ge [sflag:s10], $0x4000  }
0x32: {  	[sflag:s10] =	ssyncset.done $0x0  }
0x33: {  	[sflag:s10] =	ssyncadd.s32 $0xFFFFC000  }
0x34: {  	[tilespmem:s2], [sflag:$0x2] =	stream.linear.gather [hbm4b:s5+s2], $0x80, $0x38;
	[tilespmem:$0x4080] =	vst v63  }
0x35: {  	_ =	swait.ge [sflag:s10], $0x80  }
0x36: {  	[sflag:s10] =	ssyncset.done $0x0  }
0x37: {  	[sflag:s10] =	ssyncadd.s32 $0xFFFFFF80  }
0x38: {  	[tilespmem:s11], [sflag:$0x1] =	stream.indirect.gather [hbm4b:s4+s11], $0x80, s2, s11, $0xb8;
	[tilespmem:$0x4080] =	vst v63  }
0x39: {  	s13 =	sadd.s32 $0x1, s13;
	_ =	swait.ge [sflag:s12], $0x4000  }
0x3a: {  	p0 =	sne.s32 s13, s7;
	[sflag:s12] =	ssyncset.done $0x0  }
.Ltmp1:
0x3b: {  	[sflag:s12] =	ssyncadd.s32 $0xFFFFC000;
	(pc) =	sbr.rel @p0 .LBB2_1-.Ltmp1, $4  }
0x3c: {  	[hbm4b:s6+s2] =	stream.linear.scatter [tilespmem:s11], [sflag:$0x2], $0x4000, $0x38;
	[tilespmem:$0x4080] =	vst v63  }
0x3d: {  	_ =	swait.ge [sflag:s10], $0x4000  }
0x3e: {  	[sflag:s10] =	ssyncset.done $0x0  }
0x3f: {  	[sflag:s10] =	ssyncadd.s32 $0xFFFFC000  }
0x40: {  	_ =	sfence.sel $0x180000  }
0x41: {  	[bflag:$0x0] =	sbarrier.arrive $0xFFFF  }
0x42: {  	p0 =	sne.s32 s0, $0x0;
	_ =	strace $0x90000047  }
0x43: {  	s0 =	sadd.s32 @!p0 $0x100000, s1;
	[bflag:$0x2] =	sbarrier.arrive $0xFFFF  }
0x44: {  	[sflag:s0] =	ssyncadd.tile.s32 @!p0 $0x1;
	_ =	shalt  }
.Lfunc_end2:
_tile_overlayer_lowered:
.L_overlay_start_2:
0x45: {  	(tag) =	ssettag $0x2  }
0x46: {  	s0 =	rddreg [dreg:$0x0];
	s2 =	stileid.u32  }
0x47: {  	s1 =	rddreg [dreg:$0x1];
	p0 =	sne.s32 s2, $0x0  }
0x48: {  	s3 =	rddreg [dreg:$0x2];
	[bflag:$0x3] =	sbarrier.arrive $0xFFFF;
	s2 =	simm.s32 @!p0 $0x1C02  }
0x49: {  	[timem:s3], [sflag:s2] =	dma.local @!p0 [hbm:s0], s1  }
0x4a: {  	s0 =	simm.s32 @!p0 $0x2  }
0x4b: {  	_ =	swait.ge @!p0 [sflag:s0], s1  }
0x4c: {  	s1 =	ssub.s32 @!p0 $0x0, s1;
	[sflag:s0] =	ssyncset.done @!p0 $0x0  }
0x4d: {  	[sflag:s0] =	ssyncadd.s32 @!p0 s1  }
0x4e: {  	[bflag:$0x3] =	sbarrier.arrive $0xFFFF  }
0x4f: {  	_ =	shalt  }

</sc_bundles>
